<compile_context>
chip_gen: v7x
topology: tpu7x:2x2x1
jax: 0.10.2.dev20260603
libtpu: 0.0.44.dev20260713+nightly
codegen_flags: <defaults>
</compile_context>

<pallas_src>
import functools

import jax
import jax.numpy as jnp
from jax import lax
from jax.experimental import pallas as pl
from jax.experimental.pallas import tpu as pltpu
from jax.experimental.pallas import tpu_sc as plsc

N = 10000
NPAD = 10240
K = 8
EPAD = NPAD * K

_RLIN = 400
_RKNN = 1000
_CKNN = 1280
_RC = 200
_PADVAL = 1e17

_BIGF = 3e38
_BIGI = 2 ** 30

_MM = jnp.bfloat16


def _lin1_body(x_ref, w1_ref, b1_ref, w2_ref, b2_ref, h_ref, sq_ref):
    t = jnp.dot(x_ref[...].astype(_MM), w1_ref[...],
                preferred_element_type=jnp.float32)
    t = jnp.maximum(t + b1_ref[...], 0.0)
    h = jnp.dot(t.astype(_MM), w2_ref[...],
                preferred_element_type=jnp.float32) + b2_ref[...]
    h_ref[...] = h
    sq_ref[...] = jnp.sum(h * h, axis=1, keepdims=True)


def _linear1(x, W1, b1, W2, b2):
    r = _RLIN
    return pl.pallas_call(
        _lin1_body,
        grid=(N // r,),
        in_specs=[
            pl.BlockSpec((r, 128), lambda i: (i, 0)),
            pl.BlockSpec((128, 1024), lambda i: (0, 0)),
            pl.BlockSpec((1, 1024), lambda i: (0, 0)),
            pl.BlockSpec((1024, 256), lambda i: (0, 0)),
            pl.BlockSpec((1, 256), lambda i: (0, 0)),
        ],
        out_specs=[pl.BlockSpec((r, 256), lambda i: (i, 0)),
                   pl.BlockSpec((r, 1), lambda i: (i, 0))],
        out_shape=[jax.ShapeDtypeStruct((N, 256), jnp.float32),
                   jax.ShapeDtypeStruct((N, 1), jnp.float32)],
    )(x, W1.astype(_MM), b1[None, :], W2.astype(_MM), b2[None, :])


def _uv_body(h_ref, wa_ref, ba_ref, wb_ref, u_ref, v_ref):
    hb = h_ref[...].astype(_MM)
    u_ref[...] = jnp.dot(hb, wa_ref[...],
                         preferred_element_type=jnp.float32) + ba_ref[...]
    v_ref[...] = jnp.dot(hb, wb_ref[...], preferred_element_type=jnp.float32)


def _uv(h, Wa, ba, Wb):
    din = h.shape[1]
    hdim = Wa.shape[1]
    r = _RLIN
    return pl.pallas_call(
        _uv_body,
        grid=(N // r,),
        in_specs=[
            pl.BlockSpec((r, din), lambda i: (i, 0)),
            pl.BlockSpec((din, hdim), lambda i: (0, 0)),
            pl.BlockSpec((1, hdim), lambda i: (0, 0)),
            pl.BlockSpec((din, hdim), lambda i: (0, 0)),
        ],
        out_specs=[
            pl.BlockSpec((r, hdim), lambda i: (i, 0)),
            pl.BlockSpec((r, hdim), lambda i: (i, 0)),
        ],
        out_shape=[
            jax.ShapeDtypeStruct((N, hdim), jnp.float32),
            jax.ShapeDtypeStruct((N, hdim), jnp.float32),
        ],
    )(h, Wa.astype(_MM), ba[None, :], Wb.astype(_MM))


def _knn_body(hr_ref, hct_ref, sqr_ref, sqc_ref, idx_ref, rv_ref, ri_ref,
              tile_ref, tv_ref, ti_ref, cv_ref, ci_ref):
    j = pl.program_id(1)
    ncol = NPAD // _CKNN

    @pl.when(j == 0)
    def _():
        rv_ref[...] = jnp.full((_RKNN, K), _BIGF, jnp.float32)
        ri_ref[...] = jnp.full((_RKNN, K), _BIGI, jnp.int32)

    dots = jnp.dot(hr_ref[...], hct_ref[...],
                   preferred_element_type=jnp.float32)
    tile_ref[...] = (sqr_ref[...] + sqc_ref[...]) - 2.0 * dots

    tiota = lax.broadcasted_iota(jnp.int32, (_RKNN, _CKNN), 1)
    k8 = lax.broadcasted_iota(jnp.int32, (_RKNN, K), 1)

    def tile_round(t, carry):
        tl = tile_ref[...]
        m = jnp.min(tl, axis=1, keepdims=True)
        sel = jnp.where(tl == m, tiota, _BIGI)
        am = jnp.min(sel, axis=1, keepdims=True)
        tv_ref[...] = jnp.where(k8 == t, m, tv_ref[...])
        ti_ref[...] = jnp.where(k8 == t, am + j * _CKNN, ti_ref[...])
        tile_ref[...] = jnp.where(tiota == am, _BIGF, tl)
        return carry

    lax.fori_loop(0, K, tile_round, 0)

    cv_ref[...] = jnp.concatenate([rv_ref[...], tv_ref[...]], axis=1)
    ci_ref[...] = jnp.concatenate([ri_ref[...], ti_ref[...]], axis=1)
    miota = lax.broadcasted_iota(jnp.int32, (_RKNN, 2 * K), 1)

    def merge_round(t, carry):
        cv = cv_ref[...]
        m = jnp.min(cv, axis=1, keepdims=True)
        sel = jnp.where(cv == m, miota, _BIGI)
        am = jnp.min(sel, axis=1, keepdims=True)
        pick = jnp.min(jnp.where(miota == am, ci_ref[...], _BIGI),
                       axis=1, keepdims=True)
        rv_ref[...] = jnp.where(k8 == t, m, rv_ref[...])
        ri_ref[...] = jnp.where(k8 == t, pick, ri_ref[...])
        cv_ref[...] = jnp.where(miota == am, _BIGF, cv)
        return carry

    lax.fori_loop(0, K, merge_round, 0)

    @pl.when(j == ncol - 1)
    def _():
        idx_ref[...] = ri_ref[...]


def _knn(hpb, sq):
    d = hpb.shape[1]
    hptb = hpb.T
    sqt = jnp.pad(sq, ((0, NPAD - N), (0, 0)), constant_values=1e36).T
    return pl.pallas_call(
        _knn_body,
        grid=(N // _RKNN, NPAD // _CKNN),
        in_specs=[
            pl.BlockSpec((_RKNN, d), lambda i, j: (i, 0)),
            pl.BlockSpec((d, _CKNN), lambda i, j: (0, j)),
            pl.BlockSpec((_RKNN, 1), lambda i, j: (i, 0)),
            pl.BlockSpec((1, _CKNN), lambda i, j: (0, j)),
        ],
        out_specs=pl.BlockSpec((_RKNN, K), lambda i, j: (i, 0)),
        out_shape=jax.ShapeDtypeStruct((N, K), jnp.int32),
        scratch_shapes=[pltpu.VMEM((_RKNN, K), jnp.float32),
                        pltpu.VMEM((_RKNN, K), jnp.int32),
                        pltpu.VMEM((_RKNN, _CKNN), jnp.float32),
                        pltpu.VMEM((_RKNN, K), jnp.float32),
                        pltpu.VMEM((_RKNN, K), jnp.int32),
                        pltpu.VMEM((_RKNN, 2 * K), jnp.float32),
                        pltpu.VMEM((_RKNN, 2 * K), jnp.int32)],
        compiler_params=pltpu.CompilerParams(
            dimension_semantics=("parallel", "arbitrary")),
    )(hpb, hptb, sq, sqt)


def _sc_gather_body(chunk, per_w, nchunk, table, idxf, out, idx_v, rows_v, sem):
    c = lax.axis_index("c")
    s = lax.axis_index("s")
    wid = s * 2 + c
    base = wid * per_w

    def step(jj, carry):
        off = base + jj * chunk
        pltpu.sync_copy(idxf.at[pl.ds(off, chunk)], idx_v)
        pltpu.async_copy(table.at[idx_v], rows_v, sem).wait()
        pltpu.sync_copy(rows_v, out.at[pl.ds(off, chunk)])
        return carry

    lax.fori_loop(0, nchunk, step, 0)


def _sc_gather(V, idx_flat):
    d = V.shape[1]
    per_w = EPAD // 32
    chunk = 128 if d <= 512 else 32
    nchunk = per_w // chunk
    mesh = plsc.VectorSubcoreMesh(core_axis_name="c", subcore_axis_name="s")
    f = pl.kernel(
        functools.partial(_sc_gather_body, chunk, per_w, nchunk),
        mesh=mesh,
        out_type=jax.ShapeDtypeStruct((EPAD, d), jnp.float32),
        scratch_types=[
            pltpu.VMEM((chunk,), jnp.int32),
            pltpu.VMEM((chunk, d), jnp.float32),
            pltpu.SemaphoreType.DMA,
        ],
    )
    return f(V, idx_flat)


def _conv1_body(xi_ref, g_ref, w3t_ref, w3b_ref, b3_ref, w4_ref, b4_ref,
                out_ref, sq_ref, acc_ref):
    kk = pl.program_id(1)
    xi = xi_ref[...]
    db = g_ref[0] - xi
    hid = jnp.dot(xi.astype(_MM), w3t_ref[...],
                  preferred_element_type=jnp.float32)
    hid = hid + jnp.dot(db.astype(_MM), w3b_ref[...],
                        preferred_element_type=jnp.float32)
    hid = jnp.maximum(hid + b3_ref[...], 0.0)
    part = jnp.dot(hid.astype(_MM), w4_ref[...],
                   preferred_element_type=jnp.float32)

    @pl.when(kk == 0)
    def _():
        acc_ref[...] = part

    @pl.when(kk > 0)
    def _():
        acc_ref[...] = jnp.maximum(acc_ref[...], part)

    @pl.when(kk == K - 1)
    def _():
        out = acc_ref[...] + b4_ref[...]
        out_ref[...] = out
        sq_ref[...] = jnp.sum(out * out, axis=1, keepdims=True)


def _conv1(h1, g1, W3, b3, W4, b4):
    din = h1.shape[1]
    hdim = W3.shape[1]
    dout = W4.shape[1]
    r = _RC
    return pl.pallas_call(
        _conv1_body,
        grid=(N // r, K),
        in_specs=[
            pl.BlockSpec((r, din), lambda i, kk: (i, 0)),
            pl.BlockSpec((1, r, din), lambda i, kk: (kk, i, 0)),
            pl.BlockSpec((din, hdim), lambda i, kk: (0, 0)),
            pl.BlockSpec((din, hdim), lambda i, kk: (0, 0)),
            pl.BlockSpec((1, hdim), lambda i, kk: (0, 0)),
            pl.BlockSpec((hdim, dout), lambda i, kk: (0, 0)),
            pl.BlockSpec((1, dout), lambda i, kk: (0, 0)),
        ],
        out_specs=[pl.BlockSpec((r, dout), lambda i, kk: (i, 0)),
                   pl.BlockSpec((r, 1), lambda i, kk: (i, 0))],
        out_shape=[jax.ShapeDtypeStruct((N, dout), jnp.float32),
                   jax.ShapeDtypeStruct((N, 1), jnp.float32)],
        scratch_shapes=[pltpu.VMEM((r, dout), jnp.float32)],
        compiler_params=pltpu.CompilerParams(
            dimension_semantics=("parallel", "arbitrary")),
    )(h1, g1, W3[:din].astype(_MM), W3[din:].astype(_MM), b3[None, :],
      W4.astype(_MM), b4[None, :])


def _conv2_body(u_ref, g_ref, w6_ref, b6_ref, out_ref, acc_ref):
    kk = pl.program_id(1)
    hid = jnp.maximum(u_ref[...] + g_ref[0], 0.0)
    part = jnp.dot(hid.astype(_MM), w6_ref[...],
                   preferred_element_type=jnp.float32)

    @pl.when(kk == 0)
    def _():
        acc_ref[...] = part

    @pl.when(kk > 0)
    def _():
        acc_ref[...] = jnp.maximum(acc_ref[...], part)

    @pl.when(kk == K - 1)
    def _():
        out_ref[...] = acc_ref[...] + b6_ref[...]


def _conv2(u, g, W6, b6):
    hdim = u.shape[1]
    dout = W6.shape[1]
    r = _RC
    return pl.pallas_call(
        _conv2_body,
        grid=(N // r, K),
        in_specs=[
            pl.BlockSpec((r, hdim), lambda i, kk: (i, 0)),
            pl.BlockSpec((1, r, hdim), lambda i, kk: (kk, i, 0)),
            pl.BlockSpec((hdim, dout), lambda i, kk: (0, 0)),
            pl.BlockSpec((1, dout), lambda i, kk: (0, 0)),
        ],
        out_specs=pl.BlockSpec((r, dout), lambda i, kk: (i, 0)),
        out_shape=jax.ShapeDtypeStruct((N, dout), jnp.float32),
        scratch_shapes=[pltpu.VMEM((r, dout), jnp.float32)],
        compiler_params=pltpu.CompilerParams(
            dimension_semantics=("parallel", "arbitrary")),
    )(u, g, W6.astype(_MM), b6[None, :])


def kernel(x, W1, b1, W2, b2, W3, b3, W4, b4, W5, b5, W6, b6):
    d2 = W5.shape[0] // 2
    W5a = W5[:d2] - W5[d2:]
    W5b = W5[d2:]

    h1, sq1 = _linear1(x, W1, b1, W2, b2)
    h1pb = jnp.pad(h1.astype(_MM), ((0, NPAD - N), (0, 0)),
                   constant_values=_PADVAL)
    idx1 = _knn(h1pb, sq1)
    idxf1 = jnp.pad(idx1, ((0, NPAD - N), (0, 0))).T.reshape(-1)
    g1 = _sc_gather(h1, idxf1).reshape(K, NPAD, h1.shape[1])
    h2, sq2 = _conv1(h1, g1, W3, b3, W4, b4)

    u2, v2 = _uv(h2, W5a, b5, W5b)
    h2pb = jnp.pad(h2.astype(_MM), ((0, NPAD - N), (0, 0)),
                   constant_values=_PADVAL)
    idx2 = _knn(h2pb, sq2)
    idxf2 = jnp.pad(idx2, ((0, NPAD - N), (0, 0))).T.reshape(-1)
    g2 = _sc_gather(v2, idxf2).reshape(K, NPAD, v2.shape[1])
    return _conv2(u2, g2, W6, b6)

# --- scband reference (transcript-rebuilt; emitter-appended) ---
"""Pipeline reference for scband-edge-conv-gnnclassifier-18614388261117 (READ-ONLY COPY).

The authoritative reference and input builder live on the scoring server;
editing this copy changes nothing except your own understanding.
"""

import jax, jax.numpy as jnp
import numpy as np


def _init_linear(key, fan_in, fan_out):
    k1, k2 = jax.random.split(key)
    lim = 1.0 / np.sqrt(fan_in)
    W = jax.random.uniform(k1, (fan_in, fan_out), minval=-lim, maxval=lim, dtype=jnp.float32)
    b = jax.random.uniform(k2, (fan_out,), minval=-lim, maxval=lim, dtype=jnp.float32)
    return W, b


def setup_inputs(seed: int = 0) -> dict:
    key = jax.random.key(seed)
    ks = jax.random.split(key, 7)
    x = jax.random.normal(ks[0], (10000, 128), dtype=jnp.float32)
    W1, b1 = _init_linear(ks[1], 128, 1024)
    W2, b2 = _init_linear(ks[2], 1024, 256)
    W3, b3 = _init_linear(ks[3], 512, 1024)
    W4, b4 = _init_linear(ks[4], 1024, 2048)
    W5, b5 = _init_linear(ks[5], 4096, 1024)
    W6, b6 = _init_linear(ks[6], 1024, 512)
    return {"x": x, "W1": W1, "b1": b1, "W2": W2, "b2": b2,
            "W3": W3, "b3": b3, "W4": W4, "b4": b4,
            "W5": W5, "b5": b5, "W6": W6, "b6": b6}


def _knn_idx(x, k):
    # pairwise squared euclidean distances; top-k nearest (includes self, matching torch_cluster.knn with x==y)
    sq = jnp.sum(x * x, axis=-1)
    d = sq[:, None] + sq[None, :] - 2.0 * (x @ x.T)
    _, idx = jax.lax.top_k(-d, k)  # [N, k]
    return idx


def _edge_conv(x, idx, Wa, ba, Wb, bb):
    # PyG DynamicEdgeConv: message = nn(cat([x_i, x_j - x_i])), aggr = max over k neighbors
    xj = x[idx]                                   # gather: [N, k, d]
    xi = jnp.broadcast_to(x[:, None, :], xj.shape)
    e = jnp.concatenate([xi, xj - xi], axis=-1)   # [N, k, 2d]
    h = jax.nn.relu(e @ Wa + ba)
    h = h @ Wb + bb
    return jnp.max(h, axis=1)                     # [N, out]


def reference(x, W1, b1, W2, b2, W3, b3, W4, b4, W5, b5, W6, b6):
    k = 8
    # linear1: Linear(in,1024) -> ReLU -> Linear(1024,256)
    h = jax.nn.relu(x @ W1 + b1)
    h = h @ W2 + b2
    # econv1: DynamicEdgeConv(Seq(Linear(512,1024), ReLU, Linear(1024,2048)), k=8, aggr='max')
    idx1 = _knn_idx(h, k)
    h = _edge_conv(h, idx1, W3, b3, W4, b4)
    # econv2: DynamicEdgeConv(Seq(Linear(4096,1024), ReLU, Linear(1024,512)), k=8, aggr='max')
    idx2 = _knn_idx(h, k)
    h = _edge_conv(h, idx2, W5, b5, W6, b6)
    return h

if __name__ == "__main__":
    import jax
    _d = setup_inputs()
    print(jax.jit(kernel)(*tuple(_d.values())))

</pallas_src>

<mosaic_0001>
#map = affine_map<(d0, d1) -> (0, 0)>
#map1 = affine_map<(d0, d1) -> (0)>
module attributes {stable_mosaic.version = 14 : i64} {
  func.func @_sc_gather_body(%arg0: i32, %arg1: i32, %arg2: memref<10000x256xf32, #tpu.memory_space<hbm>>, %arg3: memref<81920xi32, #tpu.memory_space<hbm>>, %arg4: memref<81920x256xf32, #tpu.memory_space<hbm>>, %arg5: memref<128xi32, #tpu.memory_space<vmem>>, %arg6: memref<128x256xf32, #tpu.memory_space<vmem>>, %arg7: memref<!tpu.dma_semaphore, #tpu.memory_space<semaphore_mem>>) attributes {dimension_semantics = [#tpu.dimension_semantics<core_parallel>, #tpu.dimension_semantics<subcore_parallel>], iteration_bounds = array<i64: 2, 16>, scalar_prefetch = 0 : i64, scratch_operands = 3 : i64, tpu.core_type = #tpu.core_type<sc_vector_subcore>, window_params = [{transform_indices = #map}, {transform_indices = #map1}, {transform_indices = #map}]} {
    %mul3A = arith.constant 2 : i32
    %mul3A_0 = arith.muli %arg1, %mul3A : i32
    %add3A = arith.addi %mul3A_0, %arg0 : i32
    %mul3A_1 = arith.constant 2560 : i32
    %mul3A_2 = arith.muli %add3A, %mul3A_1 : i32
    %scan3A = arith.constant 0 : i32
    %scan3A_3 = arith.constant 0 : i32
    %scan3A_4 = arith.constant 20 : i32
    %scan3A_5 = arith.addi %scan3A_3, %scan3A_4 : i32
    %scan3A_6 = arith.constant 1 : i32
    scf.for %scan3A_8 = %scan3A_3 to %scan3A_5 step %scan3A_6  : i32 {
      %mul3A_9 = arith.constant 128 : i32
      %mul3A_10 = arith.muli %scan3A_8, %mul3A_9 : i32
      %add3A_11 = arith.addi %mul3A_2, %mul3A_10 : i32
      "tpu.region"() ({
        %run_scoped3A = tpu.sem_alloc : memref<!tpu.dma_semaphore, #tpu.memory_space<semaphore_mem>>
        %dma_start3A_16 = tpu.memref_slice %arg3[%add3A_11] : memref<81920xi32, #tpu.memory_space<hbm>> -> memref<128xi32, #tpu.memory_space<hbm>>
        %dma_start3A_17 = tpu.memref_slice %arg3[%add3A_11] : memref<81920xi32, #tpu.memory_space<hbm>> -> memref<128xi32, #tpu.memory_space<hbm>>
        tpu.enqueue_dma source(%dma_start3A_17 : memref<128xi32, #tpu.memory_space<hbm>>) target(%arg5 : memref<128xi32, #tpu.memory_space<vmem>>) target_semaphore(%run_scoped3A : memref<!tpu.dma_semaphore, #tpu.memory_space<semaphore_mem>>)
        %dma_wait3A_18 = tpu.memref_slice %arg3[%add3A_11] : memref<81920xi32, #tpu.memory_space<hbm>> -> memref<128xi32, #tpu.memory_space<hbm>>
        %dma_wait3A_19 = tpu.memref_slice %arg3[%add3A_11] : memref<81920xi32, #tpu.memory_space<hbm>> -> memref<128xi32, #tpu.memory_space<hbm>>
        tpu.wait_dma2 semaphore(%run_scoped3A : memref<!tpu.dma_semaphore, #tpu.memory_space<semaphore_mem>>) src(%dma_wait3A_19 : memref<128xi32, #tpu.memory_space<hbm>>) dst(%arg5 : memref<128xi32, #tpu.memory_space<vmem>>)
        tpu.yield
      }) : () -> ()
      %dma_start3A = arith.constant 0 : i32
      %dma_start3A_12 = arith.constant 0 : i32
      %dma_start3A_13 = tpu.memref_slice %arg2[%dma_start3A, %dma_start3A_12] : memref<10000x256xf32, #tpu.memory_space<hbm>> -> memref<10000x256xf32, #tpu.memory_space<hbm>>
      tpu.enqueue_indirect_dma source(%dma_start3A_13 : memref<10000x256xf32, #tpu.memory_space<hbm>>) target(%arg6 : memref<128x256xf32, #tpu.memory_space<vmem>>) offsets(%arg5 : memref<128xi32, #tpu.memory_space<vmem>>) semaphore(%arg7 : memref<!tpu.dma_semaphore, #tpu.memory_space<semaphore_mem>>)
      %dma_wait3A = arith.constant 0 : i32
      %dma_wait3A_14 = arith.constant 0 : i32
      %dma_wait3A_15 = tpu.memref_slice %arg2[%dma_wait3A, %dma_wait3A_14] : memref<10000x256xf32, #tpu.memory_space<hbm>> -> memref<10000x256xf32, #tpu.memory_space<hbm>>
      tpu.wait_indirect_dma semaphore(%arg7 : memref<!tpu.dma_semaphore, #tpu.memory_space<semaphore_mem>>) src(%dma_wait3A_15 : memref<10000x256xf32, #tpu.memory_space<hbm>>) dst(%arg6 : memref<128x256xf32, #tpu.memory_space<vmem>>)
      "tpu.region"() ({
        %run_scoped3A = tpu.sem_alloc : memref<!tpu.dma_semaphore, #tpu.memory_space<semaphore_mem>>
        %dma_start3A_16 = arith.constant 0 : i32
        %dma_start3A_17 = tpu.memref_slice %arg4[%add3A_11, %dma_start3A_16] : memref<81920x256xf32, #tpu.memory_space<hbm>> -> memref<128x256xf32, #tpu.memory_space<hbm>>
        %dma_start3A_18 = arith.constant 0 : i32
        %dma_start3A_19 = tpu.memref_slice %arg4[%add3A_11, %dma_start3A_18] : memref<81920x256xf32, #tpu.memory_space<hbm>> -> memref<128x256xf32, #tpu.memory_space<hbm>>
        tpu.enqueue_dma source(%arg6 : memref<128x256xf32, #tpu.memory_space<vmem>>) target(%dma_start3A_19 : memref<128x256xf32, #tpu.memory_space<hbm>>) target_semaphore(%run_scoped3A : memref<!tpu.dma_semaphore, #tpu.memory_space<semaphore_mem>>)
        %dma_wait3A_20 = arith.constant 0 : i32
        %dma_wait3A_21 = tpu.memref_slice %arg4[%add3A_11, %dma_wait3A_20] : memref<81920x256xf32, #tpu.memory_space<hbm>> -> memref<128x256xf32, #tpu.memory_space<hbm>>
        %dma_wait3A_22 = arith.constant 0 : i32
        %dma_wait3A_23 = tpu.memref_slice %arg4[%add3A_11, %dma_wait3A_22] : memref<81920x256xf32, #tpu.memory_space<hbm>> -> memref<128x256xf32, #tpu.memory_space<hbm>>
        tpu.wait_dma2 semaphore(%run_scoped3A : memref<!tpu.dma_semaphore, #tpu.memory_space<semaphore_mem>>) src(%arg6 : memref<128x256xf32, #tpu.memory_space<vmem>>) dst(%dma_wait3A_23 : memref<128x256xf32, #tpu.memory_space<hbm>>)
        tpu.yield
      }) : () -> ()
    }
    %scan3A_7 = arith.constant 20 : i32
    return
  }
}

#map = affine_map<(d0, d1) -> (0, 0)>
#map1 = affine_map<(d0, d1) -> (0)>
module attributes {stable_mosaic.version = 14 : i64} {
  func.func @_sc_gather_body(%arg0: i32, %arg1: i32, %arg2: memref<10000x1024xf32, #tpu.memory_space<hbm>>, %arg3: memref<81920xi32, #tpu.memory_space<hbm>>, %arg4: memref<81920x1024xf32, #tpu.memory_space<hbm>>, %arg5: memref<32xi32, #tpu.memory_space<vmem>>, %arg6: memref<32x1024xf32, #tpu.memory_space<vmem>>, %arg7: memref<!tpu.dma_semaphore, #tpu.memory_space<semaphore_mem>>) attributes {dimension_semantics = [#tpu.dimension_semantics<core_parallel>, #tpu.dimension_semantics<subcore_parallel>], iteration_bounds = array<i64: 2, 16>, scalar_prefetch = 0 : i64, scratch_operands = 3 : i64, tpu.core_type = #tpu.core_type<sc_vector_subcore>, window_params = [{transform_indices = #map}, {transform_indices = #map1}, {transform_indices = #map}]} {
    %mul3A = arith.constant 2 : i32
    %mul3A_0 = arith.muli %arg1, %mul3A : i32
    %add3A = arith.addi %mul3A_0, %arg0 : i32
    %mul3A_1 = arith.constant 2560 : i32
    %mul3A_2 = arith.muli %add3A, %mul3A_1 : i32
    %scan3A = arith.constant 0 : i32
    %scan3A_3 = arith.constant 0 : i32
    %scan3A_4 = arith.constant 80 : i32
    %scan3A_5 = arith.addi %scan3A_3, %scan3A_4 : i32
    %scan3A_6 = arith.constant 1 : i32
    scf.for %scan3A_8 = %scan3A_3 to %scan3A_5 step %scan3A_6  : i32 {
      %mul3A_9 = arith.constant 32 : i32
      %mul3A_10 = arith.muli %scan3A_8, %mul3A_9 : i32
      %add3A_11 = arith.addi %mul3A_2, %mul3A_10 : i32
      "tpu.region"() ({
        %run_scoped3A = tpu.sem_alloc : memref<!tpu.dma_semaphore, #tpu.memory_space<semaphore_mem>>
        %dma_start3A_16 = tpu.memref_slice %arg3[%add3A_11] : memref<81920xi32, #tpu.memory_space<hbm>> -> memref<32xi32, #tpu.memory_space<hbm>>
        %dma_start3A_17 = tpu.memref_slice %arg3[%add3A_11] : memref<81920xi32, #tpu.memory_space<hbm>> -> memref<32xi32, #tpu.memory_space<hbm>>
        tpu.enqueue_dma source(%dma_start3A_17 : memref<32xi32, #tpu.memory_space<hbm>>) target(%arg5 : memref<32xi32, #tpu.memory_space<vmem>>) target_semaphore(%run_scoped3A : memref<!tpu.dma_semaphore, #tpu.memory_space<semaphore_mem>>)
        %dma_wait3A_18 = tpu.memref_slice %arg3[%add3A_11] : memref<81920xi32, #tpu.memory_space<hbm>> -> memref<32xi32, #tpu.memory_space<hbm>>
        %dma_wait3A_19 = tpu.memref_slice %arg3[%add3A_11] : memref<81920xi32, #tpu.memory_space<hbm>> -> memref<32xi32, #tpu.memory_space<hbm>>
        tpu.wait_dma2 semaphore(%run_scoped3A : memref<!tpu.dma_semaphore, #tpu.memory_space<semaphore_mem>>) src(%dma_wait3A_19 : memref<32xi32, #tpu.memory_space<hbm>>) dst(%arg5 : memref<32xi32, #tpu.memory_space<vmem>>)
        tpu.yield
      }) : () -> ()
      %dma_start3A = arith.constant 0 : i32
      %dma_start3A_12 = arith.constant 0 : i32
      %dma_start3A_13 = tpu.memref_slice %arg2[%dma_start3A, %dma_start3A_12] : memref<10000x1024xf32, #tpu.memory_space<hbm>> -> memref<10000x1024xf32, #tpu.memory_space<hbm>>
      tpu.enqueue_indirect_dma source(%dma_start3A_13 : memref<10000x1024xf32, #tpu.memory_space<hbm>>) target(%arg6 : memref<32x1024xf32, #tpu.memory_space<vmem>>) offsets(%arg5 : memref<32xi32, #tpu.memory_space<vmem>>) semaphore(%arg7 : memref<!tpu.dma_semaphore, #tpu.memory_space<semaphore_mem>>)
      %dma_wait3A = arith.constant 0 : i32
      %dma_wait3A_14 = arith.constant 0 : i32
      %dma_wait3A_15 = tpu.memref_slice %arg2[%dma_wait3A, %dma_wait3A_14] : memref<10000x1024xf32, #tpu.memory_space<hbm>> -> memref<10000x1024xf32, #tpu.memory_space<hbm>>
      tpu.wait_indirect_dma semaphore(%arg7 : memref<!tpu.dma_semaphore, #tpu.memory_space<semaphore_mem>>) src(%dma_wait3A_15 : memref<10000x1024xf32, #tpu.memory_space<hbm>>) dst(%arg6 : memref<32x1024xf32, #tpu.memory_space<vmem>>)
      "tpu.region"() ({
        %run_scoped3A = tpu.sem_alloc : memref<!tpu.dma_semaphore, #tpu.memory_space<semaphore_mem>>
        %dma_start3A_16 = arith.constant 0 : i32
        %dma_start3A_17 = tpu.memref_slice %arg4[%add3A_11, %dma_start3A_16] : memref<81920x1024xf32, #tpu.memory_space<hbm>> -> memref<32x1024xf32, #tpu.memory_space<hbm>>
        %dma_start3A_18 = arith.constant 0 : i32
        %dma_start3A_19 = tpu.memref_slice %arg4[%add3A_11, %dma_start3A_18] : memref<81920x1024xf32, #tpu.memory_space<hbm>> -> memref<32x1024xf32, #tpu.memory_space<hbm>>
        tpu.enqueue_dma source(%arg6 : memref<32x1024xf32, #tpu.memory_space<vmem>>) target(%dma_start3A_19 : memref<32x1024xf32, #tpu.memory_space<hbm>>) target_semaphore(%run_scoped3A : memref<!tpu.dma_semaphore, #tpu.memory_space<semaphore_mem>>)
        %dma_wait3A_20 = arith.constant 0 : i32
        %dma_wait3A_21 = tpu.memref_slice %arg4[%add3A_11, %dma_wait3A_20] : memref<81920x1024xf32, #tpu.memory_space<hbm>> -> memref<32x1024xf32, #tpu.memory_space<hbm>>
        %dma_wait3A_22 = arith.constant 0 : i32
        %dma_wait3A_23 = tpu.memref_slice %arg4[%add3A_11, %dma_wait3A_22] : memref<81920x1024xf32, #tpu.memory_space<hbm>> -> memref<32x1024xf32, #tpu.memory_space<hbm>>
        tpu.wait_dma2 semaphore(%run_scoped3A : memref<!tpu.dma_semaphore, #tpu.memory_space<semaphore_mem>>) src(%arg6 : memref<32x1024xf32, #tpu.memory_space<vmem>>) dst(%dma_wait3A_23 : memref<32x1024xf32, #tpu.memory_space<hbm>>)
        tpu.yield
      }) : () -> ()
    }
    %scan3A_7 = arith.constant 80 : i32
    return
  }
}

module attributes {stable_mosaic.version = 14 : i64} {
  func.func @_lin1_body(%arg0: i32, %arg1: memref<400x128xf32, #tpu.memory_space<vmem>>, %arg2: memref<128x1024xbf16, #tpu.memory_space<vmem>>, %arg3: memref<1x1024xf32, #tpu.memory_space<vmem>>, %arg4: memref<1024x256xbf16, #tpu.memory_space<vmem>>, %arg5: memref<1x256xf32, #tpu.memory_space<vmem>>, %arg6: memref<400x256xf32, #tpu.memory_space<vmem>>, %arg7: memref<400x1xf32, #tpu.memory_space<vmem>>) attributes {dimension_semantics = [#tpu.dimension_semantics<arbitrary>], iteration_bounds = array<i64: 25>, scalar_prefetch = 0 : i64, scratch_operands = 0 : i64, tpu.core_type = #tpu.core_type<tc>, window_params = [{transform_indices = @transform_0, window_bounds = array<i64: 400, 128>}, {pipeline_mode = #tpu.pipeline_mode<synchronous>, transform_indices = @transform_1, window_bounds = array<i64: 128, 1024>}, {pipeline_mode = #tpu.pipeline_mode<synchronous>, transform_indices = @transform_2, window_bounds = array<i64: 1, 1024>}, {pipeline_mode = #tpu.pipeline_mode<synchronous>, transform_indices = @transform_3, window_bounds = array<i64: 1024, 256>}, {pipeline_mode = #tpu.pipeline_mode<synchronous>, transform_indices = @transform_4, window_bounds = array<i64: 1, 256>}, {transform_indices = @transform_5, window_bounds = array<i64: 400, 256>}, {transform_indices = @transform_6, window_bounds = array<i64: 400, 1>}]} {
    %get3A = arith.constant 0 : index
    %get3A_0 = arith.constant 0 : index
    %get3A_1 = vector.load %arg1[%get3A, %get3A_0] : memref<400x128xf32, #tpu.memory_space<vmem>>, vector<400x128xf32>
    %convert_element_type3A = arith.truncf %get3A_1 : vector<400x128xf32> to vector<400x128xbf16>
    %get3A_2 = arith.constant 0 : index
    %get3A_3 = arith.constant 0 : index
    %get3A_4 = vector.load %arg2[%get3A_2, %get3A_3] : memref<128x1024xbf16, #tpu.memory_space<vmem>>, vector<128x1024xbf16>
    %dot_general3A = arith.constant dense<0.000000e+00> : vector<400x1024xf32>
    %dot_general3A_5 = tpu.matmul %convert_element_type3A, %get3A_4, %dot_general3A {dimension_numbers = #tpu.dot_dimension_numbers<[1], [0], [0], [1], [0, 0, 1, 1], [], []>, transpose_lhs_hint = false} : vector<400x128xbf16>, vector<128x1024xbf16>, vector<400x1024xf32> -> vector<400x1024xf32>
    %get3A_6 = arith.constant 0 : index
    %get3A_7 = arith.constant 0 : index
    %get3A_8 = vector.load %arg3[%get3A_6, %get3A_7] : memref<1x1024xf32, #tpu.memory_space<vmem>>, vector<1x1024xf32>
    %add3A = vector.broadcast %get3A_8 : vector<1x1024xf32> to vector<400x1024xf32>
    %add3A_9 = arith.addf %dot_general3A_5, %add3A : vector<400x1024xf32>
    %max3A = arith.constant 0.000000e+00 : f32
    %max3A_10 = vector.broadcast %max3A : f32 to vector<400x1024xf32>
    %max3A_11 = arith.maximumf %add3A_9, %max3A_10 : vector<400x1024xf32>
    %convert_element_type3A_12 = arith.truncf %max3A_11 : vector<400x1024xf32> to vector<400x1024xbf16>
    %get3A_13 = arith.constant 0 : index
    %get3A_14 = arith.constant 0 : index
    %get3A_15 = vector.load %arg4[%get3A_13, %get3A_14] : memref<1024x256xbf16, #tpu.memory_space<vmem>>, vector<1024x256xbf16>
    %dot_general3A_16 = arith.constant dense<0.000000e+00> : vector<400x256xf32>
    %dot_general3A_17 = tpu.matmul %convert_element_type3A_12, %get3A_15, %dot_general3A_16 {dimension_numbers = #tpu.dot_dimension_numbers<[1], [0], [0], [1], [0, 0, 1, 1], [], []>, transpose_lhs_hint = false} : vector<400x1024xbf16>, vector<1024x256xbf16>, vector<400x256xf32> -> vector<400x256xf32>
    %get3A_18 = arith.constant 0 : index
    %get3A_19 = arith.constant 0 : index
    %get3A_20 = vector.load %arg5[%get3A_18, %get3A_19] : memref<1x256xf32, #tpu.memory_space<vmem>>, vector<1x256xf32>
    %add3A_21 = vector.broadcast %get3A_20 : vector<1x256xf32> to vector<400x256xf32>
    %add3A_22 = arith.addf %dot_general3A_17, %add3A_21 : vector<400x256xf32>
    %swap3A = arith.constant 0 : index
    %swap3A_23 = arith.constant 0 : index
    %swap3A_24 = vector.load %arg6[%swap3A, %swap3A_23] : memref<400x256xf32, #tpu.memory_space<vmem>>, vector<400x256xf32>
    tpu.vector_store %arg6[%swap3A, %swap3A_23], %add3A_22 {strides = array<i32>} : memref<400x256xf32, #tpu.memory_space<vmem>>, vector<400x256xf32>,
    %mul3A = arith.mulf %add3A_22, %add3A_22 : vector<400x256xf32>
    %reduce_sum3A = arith.constant dense<0.000000e+00> : vector<400xf32>
    %reduce_sum3A_25 = vector.multi_reduction <add>, %mul3A, %reduce_sum3A [1] : vector<400x256xf32> to vector<400xf32>
    %broadcast_in_dim3A = vector.shape_cast %reduce_sum3A_25 : vector<400xf32> to vector<400x1xf32>
    %swap3A_26 = arith.constant 0 : index
    %swap3A_27 = arith.constant 0 : index
    %swap3A_28 = vector.load %arg7[%swap3A_26, %swap3A_27] : memref<400x1xf32, #tpu.memory_space<vmem>>, vector<400x1xf32>
    tpu.vector_store %arg7[%swap3A_26, %swap3A_27], %broadcast_in_dim3A {strides = array<i32>} : memref<400x1xf32, #tpu.memory_space<vmem>>, vector<400x1xf32>,
    return
  }
  func.func @transform_0(%arg0: i32) -> (i32, i32) {
    %c0_i32 = arith.constant 0 : i32
    %c0_i32_0 = arith.constant 0 : i32
    return %arg0, %c0_i32 : i32, i32
  }
  func.func @transform_1(%arg0: i32) -> (i32, i32) {
    %c0_i32 = arith.constant 0 : i32
    %c0_i32_0 = arith.constant 0 : i32
    %c0_i32_1 = arith.constant 0 : i32
    return %c0_i32, %c0_i32_0 : i32, i32
  }
  func.func @transform_2(%arg0: i32) -> (i32, i32) {
    %c0_i32 = arith.constant 0 : i32
    %c0_i32_0 = arith.constant 0 : i32
    %c0_i32_1 = arith.constant 0 : i32
    return %c0_i32, %c0_i32_0 : i32, i32
  }
  func.func @transform_3(%arg0: i32) -> (i32, i32) {
    %c0_i32 = arith.constant 0 : i32
    %c0_i32_0 = arith.constant 0 : i32
    %c0_i32_1 = arith.constant 0 : i32
    return %c0_i32, %c0_i32_0 : i32, i32
  }
  func.func @transform_4(%arg0: i32) -> (i32, i32) {
    %c0_i32 = arith.constant 0 : i32
    %c0_i32_0 = arith.constant 0 : i32
    %c0_i32_1 = arith.constant 0 : i32
    return %c0_i32, %c0_i32_0 : i32, i32
  }
  func.func @transform_5(%arg0: i32) -> (i32, i32) {
    %c0_i32 = arith.constant 0 : i32
    %c0_i32_0 = arith.constant 0 : i32
    return %arg0, %c0_i32 : i32, i32
  }
  func.func @transform_6(%arg0: i32) -> (i32, i32) {
    %c0_i32 = arith.constant 0 : i32
    %c0_i32_0 = arith.constant 0 : i32
    return %arg0, %c0_i32 : i32, i32
  }
}

module attributes {stable_mosaic.version = 14 : i64} {
  func.func @_knn_body(%arg0: i32, %arg1: i32, %arg2: memref<1000x256xbf16, #tpu.memory_space<vmem>>, %arg3: memref<256x1280xbf16, #tpu.memory_space<vmem>>, %arg4: memref<1000x1xf32, #tpu.memory_space<vmem>>, %arg5: memref<1x1280xf32, #tpu.memory_space<vmem>>, %arg6: memref<1000x8xi32, #tpu.memory_space<vmem>>, %arg7: memref<1000x8xf32, #tpu.memory_space<vmem>>, %arg8: memref<1000x8xi32, #tpu.memory_space<vmem>>, %arg9: memref<1000x1280xf32, #tpu.memory_space<vmem>>, %arg10: memref<1000x8xf32, #tpu.memory_space<vmem>>, %arg11: memref<1000x8xi32, #tpu.memory_space<vmem>>, %arg12: memref<1000x16xf32, #tpu.memory_space<vmem>>, %arg13: memref<1000x16xi32, #tpu.memory_space<vmem>>) attributes {dimension_semantics = [#tpu.dimension_semantics<parallel>, #tpu.dimension_semantics<arbitrary>], iteration_bounds = array<i64: 10, 8>, scalar_prefetch = 0 : i64, scratch_operands = 7 : i64, tpu.core_type = #tpu.core_type<tc>, window_params = [{transform_indices = @transform_0, window_bounds = array<i64: 1000, 256>}, {transform_indices = @transform_1, window_bounds = array<i64: 256, 1280>}, {transform_indices = @transform_2, window_bounds = array<i64: 1000, 1>}, {transform_indices = @transform_3, window_bounds = array<i64: 1, 1280>}, {transform_indices = @transform_4, window_bounds = array<i64: 1000, 8>}]} {
    %eq3A = arith.constant 0 : i32
    %eq3A_0 = arith.cmpi eq, %arg1, %eq3A : i32
    %convert_element_type3A = arith.extui %eq3A_0 : i1 to i32
    %cond3A = arith.constant 0 : i32
    %cond3A_1 = arith.cmpi ne, %convert_element_type3A, %cond3A : i32
    scf.if %cond3A_1 {
      %broadcast_in_dim3A = arith.constant 3.000000e+38 : f32
      %broadcast_in_dim3A_55 = vector.broadcast %broadcast_in_dim3A : f32 to vector<1000x8xf32>
      %swap3A_56 = arith.constant 0 : index
      %swap3A_57 = arith.constant 0 : index
      %swap3A_58 = vector.load %arg7[%swap3A_56, %swap3A_57] : memref<1000x8xf32, #tpu.memory_space<vmem>>, vector<1000x8xf32>
      tpu.vector_store %arg7[%swap3A_56, %swap3A_57], %broadcast_in_dim3A_55 {strides = array<i32>} : memref<1000x8xf32, #tpu.memory_space<vmem>>, vector<1000x8xf32>,
      %broadcast_in_dim3A_59 = arith.constant 1073741824 : i32
      %broadcast_in_dim3A_60 = vector.broadcast %broadcast_in_dim3A_59 : i32 to vector<1000x8xi32>
      %swap3A_61 = arith.constant 0 : index
      %swap3A_62 = arith.constant 0 : index
      %swap3A_63 = vector.load %arg8[%swap3A_61, %swap3A_62] : memref<1000x8xi32, #tpu.memory_space<vmem>>, vector<1000x8xi32>
      tpu.vector_store %arg8[%swap3A_61, %swap3A_62], %broadcast_in_dim3A_60 {strides = array<i32>} : memref<1000x8xi32, #tpu.memory_space<vmem>>, vector<1000x8xi32>,
    } else {
    }
    %get3A = arith.constant 0 : index
    %get3A_2 = arith.constant 0 : index
    %get3A_3 = vector.load %arg2[%get3A, %get3A_2] : memref<1000x256xbf16, #tpu.memory_space<vmem>>, vector<1000x256xbf16>
    %get3A_4 = arith.constant 0 : index
    %get3A_5 = arith.constant 0 : index
    %get3A_6 = vector.load %arg3[%get3A_4, %get3A_5] : memref<256x1280xbf16, #tpu.memory_space<vmem>>, vector<256x1280xbf16>
    %dot_general3A = arith.constant dense<0.000000e+00> : vector<1000x1280xf32>
    %dot_general3A_7 = tpu.matmul %get3A_3, %get3A_6, %dot_general3A {dimension_numbers = #tpu.dot_dimension_numbers<[1], [0], [0], [1], [0, 0, 1, 1], [], []>, transpose_lhs_hint = false} : vector<1000x256xbf16>, vector<256x1280xbf16>, vector<1000x1280xf32> -> vector<1000x1280xf32>
    %get3A_8 = arith.constant 0 : index
    %get3A_9 = arith.constant 0 : index
    %get3A_10 = vector.load %arg4[%get3A_8, %get3A_9] : memref<1000x1xf32, #tpu.memory_space<vmem>>, vector<1000x1xf32>
    %get3A_11 = arith.constant 0 : index
    %get3A_12 = arith.constant 0 : index
    %get3A_13 = vector.load %arg5[%get3A_11, %get3A_12] : memref<1x1280xf32, #tpu.memory_space<vmem>>, vector<1x1280xf32>
    %add3A = vector.broadcast %get3A_10 : vector<1000x1xf32> to vector<1000x1280xf32>
    %add3A_14 = vector.broadcast %get3A_13 : vector<1x1280xf32> to vector<1000x1280xf32>
    %add3A_15 = arith.addf %add3A, %add3A_14 : vector<1000x1280xf32>
    %mul3A = arith.constant 2.000000e+00 : f32
    %mul3A_16 = vector.broadcast %mul3A : f32 to vector<1000x1280xf32>
    %mul3A_17 = arith.mulf %mul3A_16, %dot_general3A_7 : vector<1000x1280xf32>
    %sub3A = arith.subf %add3A_15, %mul3A_17 : vector<1000x1280xf32>
    %swap3A = arith.constant 0 : index
    %swap3A_18 = arith.constant 0 : index
    %swap3A_19 = vector.load %arg9[%swap3A, %swap3A_18] : memref<1000x1280xf32, #tpu.memory_space<vmem>>, vector<1000x1280xf32>
    tpu.vector_store %arg9[%swap3A, %swap3A_18], %sub3A {strides = array<i32>} : memref<1000x1280xf32, #tpu.memory_space<vmem>>, vector<1000x1280xf32>,
    %iota3A = tpu.iota {dimensions = array<i32: 1>} : vector<1000x1280xi32>
    %iota3A_20 = tpu.iota {dimensions = array<i32: 1>} : vector<1000x8xi32>
    %scan3A = arith.constant 0 : i32
    %scan3A_21 = arith.constant 8 : i32
    %scan3A_22 = arith.addi %scan3A, %scan3A_21 : i32
    %scan3A_23 = arith.constant 1 : i32
    scf.for %scan3A_55 = %scan3A to %scan3A_22 step %scan3A_23  : i32 {
      %get3A_56 = arith.constant 0 : index
      %get3A_57 = arith.constant 0 : index
      %get3A_58 = vector.load %arg9[%get3A_56, %get3A_57] : memref<1000x1280xf32, #tpu.memory_space<vmem>>, vector<1000x1280xf32>
      %reduce_min3A = arith.constant dense<0x7F800000> : vector<1000xf32>
      %reduce_min3A_59 = vector.multi_reduction <minimumf>, %get3A_58, %reduce_min3A [1] : vector<1000x1280xf32> to vector<1000xf32>
      %broadcast_in_dim3A = vector.shape_cast %reduce_min3A_59 : vector<1000xf32> to vector<1000x1xf32>
      %eq3A_60 = vector.broadcast %broadcast_in_dim3A : vector<1000x1xf32> to vector<1000x1280xf32>
      %eq3A_61 = arith.cmpf oeq, %get3A_58, %eq3A_60 : vector<1000x1280xf32>
      %jit3A = arith.constant 1073741824 : i32
      %broadcast_in_dim3A_62 = vector.broadcast %jit3A : i32 to vector<1000x1280xi32>
      %select_n3A = arith.select %eq3A_61, %iota3A, %broadcast_in_dim3A_62 : vector<1000x1280xi1>, vector<1000x1280xi32>
      %reduce_min3A_63 = arith.constant dense<2147483647> : vector<1000xi32>
      %reduce_min3A_64 = vector.multi_reduction <minsi>, %select_n3A, %reduce_min3A_63 [1] : vector<1000x1280xi32> to vector<1000xi32>
      %broadcast_in_dim3A_65 = vector.shape_cast %reduce_min3A_64 : vector<1000xi32> to vector<1000x1xi32>
      %eq3A_66 = vector.broadcast %scan3A_55 : i32 to vector<1000x8xi32>
      %eq3A_67 = arith.cmpi eq, %iota3A_20, %eq3A_66 : vector<1000x8xi32>
      %get3A_68 = arith.constant 0 : index
      %get3A_69 = arith.constant 0 : index
      %get3A_70 = vector.load %arg10[%get3A_68, %get3A_69] : memref<1000x8xf32, #tpu.memory_space<vmem>>, vector<1000x8xf32>
      %broadcast_in_dim3A_71 = vector.shape_cast %broadcast_in_dim3A : vector<1000x1xf32> to vector<1000x1xf32>
      %broadcast_in_dim3A_72 = vector.broadcast %broadcast_in_dim3A_71 : vector<1000x1xf32> to vector<1000x8xf32>
      %select_n3A_73 = arith.select %eq3A_67, %broadcast_in_dim3A_72, %get3A_70 : vector<1000x8xi1>, vector<1000x8xf32>
      %swap3A_74 = arith.constant 0 : index
      %swap3A_75 = arith.constant 0 : index
      %swap3A_76 = vector.load %arg10[%swap3A_74, %swap3A_75] : memref<1000x8xf32, #tpu.memory_space<vmem>>, vector<1000x8xf32>
      tpu.vector_store %arg10[%swap3A_74, %swap3A_75], %select_n3A_73 {strides = array<i32>} : memref<1000x8xf32, #tpu.memory_space<vmem>>, vector<1000x8xf32>,
      %eq3A_77 = vector.broadcast %scan3A_55 : i32 to vector<1000x8xi32>
      %eq3A_78 = arith.cmpi eq, %iota3A_20, %eq3A_77 : vector<1000x8xi32>
      %mul3A_79 = arith.constant 1280 : i32
      %mul3A_80 = arith.muli %arg1, %mul3A_79 : i32
      %add3A_81 = vector.broadcast %mul3A_80 : i32 to vector<1000x1xi32>
      %add3A_82 = arith.addi %broadcast_in_dim3A_65, %add3A_81 : vector<1000x1xi32>
      %get3A_83 = arith.constant 0 : index
      %get3A_84 = arith.constant 0 : index
      %get3A_85 = vector.load %arg11[%get3A_83, %get3A_84] : memref<1000x8xi32, #tpu.memory_space<vmem>>, vector<1000x8xi32>
      %broadcast_in_dim3A_86 = vector.shape_cast %add3A_82 : vector<1000x1xi32> to vector<1000x1xi32>
      %broadcast_in_dim3A_87 = vector.broadcast %broadcast_in_dim3A_86 : vector<1000x1xi32> to vector<1000x8xi32>
      %select_n3A_88 = arith.select %eq3A_78, %broadcast_in_dim3A_87, %get3A_85 : vector<1000x8xi1>, vector<1000x8xi32>
      %swap3A_89 = arith.constant 0 : index
      %swap3A_90 = arith.constant 0 : index
      %swap3A_91 = vector.load %arg11[%swap3A_89, %swap3A_90] : memref<1000x8xi32, #tpu.memory_space<vmem>>, vector<1000x8xi32>
      tpu.vector_store %arg11[%swap3A_89, %swap3A_90], %select_n3A_88 {strides = array<i32>} : memref<1000x8xi32, #tpu.memory_space<vmem>>, vector<1000x8xi32>,
      %eq3A_92 = vector.broadcast %broadcast_in_dim3A_65 : vector<1000x1xi32> to vector<1000x1280xi32>
      %eq3A_93 = arith.cmpi eq, %iota3A, %eq3A_92 : vector<1000x1280xi32>
      %jit3A_94 = arith.constant 3.000000e+38 : f32
      %broadcast_in_dim3A_95 = vector.broadcast %jit3A_94 : f32 to vector<1000x1280xf32>
      %select_n3A_96 = arith.select %eq3A_93, %broadcast_in_dim3A_95, %get3A_58 : vector<1000x1280xi1>, vector<1000x1280xf32>
      %swap3A_97 = arith.constant 0 : index
      %swap3A_98 = arith.constant 0 : index
      %swap3A_99 = vector.load %arg9[%swap3A_97, %swap3A_98] : memref<1000x1280xf32, #tpu.memory_space<vmem>>, vector<1000x1280xf32>
      tpu.vector_store %arg9[%swap3A_97, %swap3A_98], %select_n3A_96 {strides = array<i32>} : memref<1000x1280xf32, #tpu.memory_space<vmem>>, vector<1000x1280xf32>,
    }
    %scan3A_24 = arith.constant 8 : i32
    %get3A_25 = arith.constant 0 : index
    %get3A_26 = arith.constant 0 : index
    %get3A_27 = vector.load %arg7[%get3A_25, %get3A_26] : memref<1000x8xf32, #tpu.memory_space<vmem>>, vector<1000x8xf32>
    %get3A_28 = arith.constant 0 : index
    %get3A_29 = arith.constant 0 : index
    %get3A_30 = vector.load %arg10[%get3A_28, %get3A_29] : memref<1000x8xf32, #tpu.memory_space<vmem>>, vector<1000x8xf32>
    %concatenate3A = tpu.concatenate %get3A_27, %get3A_30 in 1 : vector<1000x8xf32>, vector<1000x8xf32> -> vector<1000x16xf32>
    %swap3A_31 = arith.constant 0 : index
    %swap3A_32 = arith.constant 0 : index
    %swap3A_33 = vector.load %arg12[%swap3A_31, %swap3A_32] : memref<1000x16xf32, #tpu.memory_space<vmem>>, vector<1000x16xf32>
    tpu.vector_store %arg12[%swap3A_31, %swap3A_32], %concatenate3A {strides = array<i32>} : memref<1000x16xf32, #tpu.memory_space<vmem>>, vector<1000x16xf32>,
    %get3A_34 = arith.constant 0 : index
    %get3A_35 = arith.constant 0 : index
    %get3A_36 = vector.load %arg8[%get3A_34, %get3A_35] : memref<1000x8xi32, #tpu.memory_space<vmem>>, vector<1000x8xi32>
    %get3A_37 = arith.constant 0 : index
    %get3A_38 = arith.constant 0 : index
    %get3A_39 = vector.load %arg11[%get3A_37, %get3A_38] : memref<1000x8xi32, #tpu.memory_space<vmem>>, vector<1000x8xi32>
    %concatenate3A_40 = tpu.concatenate %get3A_36, %get3A_39 in 1 : vector<1000x8xi32>, vector<1000x8xi32> -> vector<1000x16xi32>
    %swap3A_41 = arith.constant 0 : index
    %swap3A_42 = arith.constant 0 : index
    %swap3A_43 = vector.load %arg13[%swap3A_41, %swap3A_42] : memref<1000x16xi32, #tpu.memory_space<vmem>>, vector<1000x16xi32>
    tpu.vector_store %arg13[%swap3A_41, %swap3A_42], %concatenate3A_40 {strides = array<i32>} : memref<1000x16xi32, #tpu.memory_space<vmem>>, vector<1000x16xi32>,
    %iota3A_44 = tpu.iota {dimensions = array<i32: 1>} : vector<1000x16xi32>
    %scan3A_45 = arith.constant 0 : i32
    %scan3A_46 = arith.constant 8 : i32
    %scan3A_47 = arith.addi %scan3A_45, %scan3A_46 : i32
    %scan3A_48 = arith.constant 1 : i32
    scf.for %scan3A_55 = %scan3A_45 to %scan3A_47 step %scan3A_48  : i32 {
      %get3A_56 = arith.constant 0 : index
      %get3A_57 = arith.constant 0 : index
      %get3A_58 = vector.load %arg12[%get3A_56, %get3A_57] : memref<1000x16xf32, #tpu.memory_space<vmem>>, vector<1000x16xf32>
      %reduce_min3A = arith.constant dense<0x7F800000> : vector<1000xf32>
      %reduce_min3A_59 = vector.multi_reduction <minimumf>, %get3A_58, %reduce_min3A [1] : vector<1000x16xf32> to vector<1000xf32>
      %broadcast_in_dim3A = vector.shape_cast %reduce_min3A_59 : vector<1000xf32> to vector<1000x1xf32>
      %eq3A_60 = vector.broadcast %broadcast_in_dim3A : vector<1000x1xf32> to vector<1000x16xf32>
      %eq3A_61 = arith.cmpf oeq, %get3A_58, %eq3A_60 : vector<1000x16xf32>
      %jit3A = arith.constant 1073741824 : i32
      %broadcast_in_dim3A_62 = vector.broadcast %jit3A : i32 to vector<1000x16xi32>
      %select_n3A = arith.select %eq3A_61, %iota3A_44, %broadcast_in_dim3A_62 : vector<1000x16xi1>, vector<1000x16xi32>
      %reduce_min3A_63 = arith.constant dense<2147483647> : vector<1000xi32>
      %reduce_min3A_64 = vector.multi_reduction <minsi>, %select_n3A, %reduce_min3A_63 [1] : vector<1000x16xi32> to vector<1000xi32>
      %broadcast_in_dim3A_65 = vector.shape_cast %reduce_min3A_64 : vector<1000xi32> to vector<1000x1xi32>
      %eq3A_66 = vector.broadcast %broadcast_in_dim3A_65 : vector<1000x1xi32> to vector<1000x16xi32>
      %eq3A_67 = arith.cmpi eq, %iota3A_44, %eq3A_66 : vector<1000x16xi32>
      %get3A_68 = arith.constant 0 : index
      %get3A_69 = arith.constant 0 : index
      %get3A_70 = vector.load %arg13[%get3A_68, %get3A_69] : memref<1000x16xi32, #tpu.memory_space<vmem>>, vector<1000x16xi32>
      %jit3A_71 = arith.constant 1073741824 : i32
      %broadcast_in_dim3A_72 = vector.broadcast %jit3A_71 : i32 to vector<1000x16xi32>
      %select_n3A_73 = arith.select %eq3A_67, %get3A_70, %broadcast_in_dim3A_72 : vector<1000x16xi1>, vector<1000x16xi32>
      %reduce_min3A_74 = arith.constant dense<2147483647> : vector<1000xi32>
      %reduce_min3A_75 = vector.multi_reduction <minsi>, %select_n3A_73, %reduce_min3A_74 [1] : vector<1000x16xi32> to vector<1000xi32>
      %broadcast_in_dim3A_76 = vector.shape_cast %reduce_min3A_75 : vector<1000xi32> to vector<1000x1xi32>
      %eq3A_77 = vector.broadcast %scan3A_55 : i32 to vector<1000x8xi32>
      %eq3A_78 = arith.cmpi eq, %iota3A_20, %eq3A_77 : vector<1000x8xi32>
      %get3A_79 = arith.constant 0 : index
      %get3A_80 = arith.constant 0 : index
      %get3A_81 = vector.load %arg7[%get3A_79, %get3A_80] : memref<1000x8xf32, #tpu.memory_space<vmem>>, vector<1000x8xf32>
      %broadcast_in_dim3A_82 = vector.shape_cast %broadcast_in_dim3A : vector<1000x1xf32> to vector<1000x1xf32>
      %broadcast_in_dim3A_83 = vector.broadcast %broadcast_in_dim3A_82 : vector<1000x1xf32> to vector<1000x8xf32>
      %select_n3A_84 = arith.select %eq3A_78, %broadcast_in_dim3A_83, %get3A_81 : vector<1000x8xi1>, vector<1000x8xf32>
      %swap3A_85 = arith.constant 0 : index
      %swap3A_86 = arith.constant 0 : index
      %swap3A_87 = vector.load %arg7[%swap3A_85, %swap3A_86] : memref<1000x8xf32, #tpu.memory_space<vmem>>, vector<1000x8xf32>
      tpu.vector_store %arg7[%swap3A_85, %swap3A_86], %select_n3A_84 {strides = array<i32>} : memref<1000x8xf32, #tpu.memory_space<vmem>>, vector<1000x8xf32>,
      %eq3A_88 = vector.broadcast %scan3A_55 : i32 to vector<1000x8xi32>
      %eq3A_89 = arith.cmpi eq, %iota3A_20, %eq3A_88 : vector<1000x8xi32>
      %get3A_90 = arith.constant 0 : index
      %get3A_91 = arith.constant 0 : index
      %get3A_92 = vector.load %arg8[%get3A_90, %get3A_91] : memref<1000x8xi32, #tpu.memory_space<vmem>>, vector<1000x8xi32>
      %broadcast_in_dim3A_93 = vector.shape_cast %broadcast_in_dim3A_76 : vector<1000x1xi32> to vector<1000x1xi32>
      %broadcast_in_dim3A_94 = vector.broadcast %broadcast_in_dim3A_93 : vector<1000x1xi32> to vector<1000x8xi32>
      %select_n3A_95 = arith.select %eq3A_89, %broadcast_in_dim3A_94, %get3A_92 : vector<1000x8xi1>, vector<1000x8xi32>
      %swap3A_96 = arith.constant 0 : index
      %swap3A_97 = arith.constant 0 : index
      %swap3A_98 = vector.load %arg8[%swap3A_96, %swap3A_97] : memref<1000x8xi32, #tpu.memory_space<vmem>>, vector<1000x8xi32>
      tpu.vector_store %arg8[%swap3A_96, %swap3A_97], %select_n3A_95 {strides = array<i32>} : memref<1000x8xi32, #tpu.memory_space<vmem>>, vector<1000x8xi32>,
      %eq3A_99 = vector.broadcast %broadcast_in_dim3A_65 : vector<1000x1xi32> to vector<1000x16xi32>
      %eq3A_100 = arith.cmpi eq, %iota3A_44, %eq3A_99 : vector<1000x16xi32>
      %jit3A_101 = arith.constant 3.000000e+38 : f32
      %broadcast_in_dim3A_102 = vector.broadcast %jit3A_101 : f32 to vector<1000x16xf32>
      %select_n3A_103 = arith.select %eq3A_100, %broadcast_in_dim3A_102, %get3A_58 : vector<1000x16xi1>, vector<1000x16xf32>
      %swap3A_104 = arith.constant 0 : index
      %swap3A_105 = arith.constant 0 : index
      %swap3A_106 = vector.load %arg12[%swap3A_104, %swap3A_105] : memref<1000x16xf32, #tpu.memory_space<vmem>>, vector<1000x16xf32>
      tpu.vector_store %arg12[%swap3A_104, %swap3A_105], %select_n3A_103 {strides = array<i32>} : memref<1000x16xf32, #tpu.memory_space<vmem>>, vector<1000x16xf32>,
    }
    %scan3A_49 = arith.constant 8 : i32
    %eq3A_50 = arith.constant 7 : i32
    %eq3A_51 = arith.cmpi eq, %arg1, %eq3A_50 : i32
    %convert_element_type3A_52 = arith.extui %eq3A_51 : i1 to i32
    %cond3A_53 = arith.constant 0 : i32
    %cond3A_54 = arith.cmpi ne, %convert_element_type3A_52, %cond3A_53 : i32
    scf.if %cond3A_54 {
      %get3A_55 = arith.constant 0 : index
      %get3A_56 = arith.constant 0 : index
      %get3A_57 = vector.load %arg8[%get3A_55, %get3A_56] : memref<1000x8xi32, #tpu.memory_space<vmem>>, vector<1000x8xi32>
      %swap3A_58 = arith.constant 0 : index
      %swap3A_59 = arith.constant 0 : index
      %swap3A_60 = vector.load %arg6[%swap3A_58, %swap3A_59] : memref<1000x8xi32, #tpu.memory_space<vmem>>, vector<1000x8xi32>
      tpu.vector_store %arg6[%swap3A_58, %swap3A_59], %get3A_57 {strides = array<i32>} : memref<1000x8xi32, #tpu.memory_space<vmem>>, vector<1000x8xi32>,
    } else {
    }
    return
  }
  func.func @transform_0(%arg0: i32, %arg1: i32) -> (i32, i32) {
    %c0_i32 = arith.constant 0 : i32
    %c0_i32_0 = arith.constant 0 : i32
    return %arg0, %c0_i32 : i32, i32
  }
  func.func @transform_1(%arg0: i32, %arg1: i32) -> (i32, i32) {
    %c0_i32 = arith.constant 0 : i32
    %c0_i32_0 = arith.constant 0 : i32
    return %c0_i32, %arg1 : i32, i32
  }
  func.func @transform_2(%arg0: i32, %arg1: i32) -> (i32, i32) {
    %c0_i32 = arith.constant 0 : i32
    %c0_i32_0 = arith.constant 0 : i32
    return %arg0, %c0_i32 : i32, i32
  }
  func.func @transform_3(%arg0: i32, %arg1: i32) -> (i32, i32) {
    %c0_i32 = arith.constant 0 : i32
    %c0_i32_0 = arith.constant 0 : i32
    return %c0_i32, %arg1 : i32, i32
  }
  func.func @transform_4(%arg0: i32, %arg1: i32) -> (i32, i32) {
    %c0_i32 = arith.constant 0 : i32
    %c0_i32_0 = arith.constant 0 : i32
    return %arg0, %c0_i32 : i32, i32
  }
}

module attributes {stable_mosaic.version = 14 : i64} {
  func.func @_conv1_body(%arg0: i32, %arg1: i32, %arg2: memref<200x256xf32, #tpu.memory_space<vmem>>, %arg3: memref<1x200x256xf32, #tpu.memory_space<vmem>>, %arg4: memref<256x1024xbf16, #tpu.memory_space<vmem>>, %arg5: memref<256x1024xbf16, #tpu.memory_space<vmem>>, %arg6: memref<1x1024xf32, #tpu.memory_space<vmem>>, %arg7: memref<1024x2048xbf16, #tpu.memory_space<vmem>>, %arg8: memref<1x2048xf32, #tpu.memory_space<vmem>>, %arg9: memref<200x2048xf32, #tpu.memory_space<vmem>>, %arg10: memref<200x1xf32, #tpu.memory_space<vmem>>, %arg11: memref<200x2048xf32, #tpu.memory_space<vmem>>) attributes {dimension_semantics = [#tpu.dimension_semantics<parallel>, #tpu.dimension_semantics<arbitrary>], iteration_bounds = array<i64: 50, 8>, scalar_prefetch = 0 : i64, scratch_operands = 1 : i64, tpu.core_type = #tpu.core_type<tc>, window_params = [{transform_indices = @transform_0, window_bounds = array<i64: 200, 256>}, {transform_indices = @transform_1, window_bounds = array<i64: 1, 200, 256>}, {pipeline_mode = #tpu.pipeline_mode<synchronous>, transform_indices = @transform_2, window_bounds = array<i64: 256, 1024>}, {pipeline_mode = #tpu.pipeline_mode<synchronous>, transform_indices = @transform_3, window_bounds = array<i64: 256, 1024>}, {pipeline_mode = #tpu.pipeline_mode<synchronous>, transform_indices = @transform_4, window_bounds = array<i64: 1, 1024>}, {pipeline_mode = #tpu.pipeline_mode<synchronous>, transform_indices = @transform_5, window_bounds = array<i64: 1024, 2048>}, {pipeline_mode = #tpu.pipeline_mode<synchronous>, transform_indices = @transform_6, window_bounds = array<i64: 1, 2048>}, {transform_indices = @transform_7, window_bounds = array<i64: 200, 2048>}, {transform_indices = @transform_8, window_bounds = array<i64: 200, 1>}]} {
    %get3A = arith.constant 0 : index
    %get3A_0 = arith.constant 0 : index
    %get3A_1 = vector.load %arg2[%get3A, %get3A_0] : memref<200x256xf32, #tpu.memory_space<vmem>>, vector<200x256xf32>
    %get3A_2 = arith.constant 0 : index
    %get3A_3 = arith.constant 0 : index
    %get3A_4 = arith.constant 0 : index
    %get3A_5 = vector.load %arg3[%get3A_2, %get3A_3, %get3A_4] : memref<1x200x256xf32, #tpu.memory_space<vmem>>, vector<1x200x256xf32>
    %get3A_6 = vector.shape_cast %get3A_5 : vector<1x200x256xf32> to vector<200x256xf32>
    %sub3A = arith.subf %get3A_6, %get3A_1 : vector<200x256xf32>
    %convert_element_type3A = arith.truncf %get3A_1 : vector<200x256xf32> to vector<200x256xbf16>
    %get3A_7 = arith.constant 0 : index
    %get3A_8 = arith.constant 0 : index
    %get3A_9 = vector.load %arg4[%get3A_7, %get3A_8] : memref<256x1024xbf16, #tpu.memory_space<vmem>>, vector<256x1024xbf16>
    %dot_general3A = arith.constant dense<0.000000e+00> : vector<200x1024xf32>
    %dot_general3A_10 = tpu.matmul %convert_element_type3A, %get3A_9, %dot_general3A {dimension_numbers = #tpu.dot_dimension_numbers<[1], [0], [0], [1], [0, 0, 1, 1], [], []>, transpose_lhs_hint = false} : vector<200x256xbf16>, vector<256x1024xbf16>, vector<200x1024xf32> -> vector<200x1024xf32>
    %convert_element_type3A_11 = arith.truncf %sub3A : vector<200x256xf32> to vector<200x256xbf16>
    %get3A_12 = arith.constant 0 : index
    %get3A_13 = arith.constant 0 : index
    %get3A_14 = vector.load %arg5[%get3A_12, %get3A_13] : memref<256x1024xbf16, #tpu.memory_space<vmem>>, vector<256x1024xbf16>
    %dot_general3A_15 = arith.constant dense<0.000000e+00> : vector<200x1024xf32>
    %dot_general3A_16 = tpu.matmul %convert_element_type3A_11, %get3A_14, %dot_general3A_15 {dimension_numbers = #tpu.dot_dimension_numbers<[1], [0], [0], [1], [0, 0, 1, 1], [], []>, transpose_lhs_hint = false} : vector<200x256xbf16>, vector<256x1024xbf16>, vector<200x1024xf32> -> vector<200x1024xf32>
    %add3A = arith.addf %dot_general3A_10, %dot_general3A_16 : vector<200x1024xf32>
    %get3A_17 = arith.constant 0 : index
    %get3A_18 = arith.constant 0 : index
    %get3A_19 = vector.load %arg6[%get3A_17, %get3A_18] : memref<1x1024xf32, #tpu.memory_space<vmem>>, vector<1x1024xf32>
    %add3A_20 = vector.broadcast %get3A_19 : vector<1x1024xf32> to vector<200x1024xf32>
    %add3A_21 = arith.addf %add3A, %add3A_20 : vector<200x1024xf32>
    %max3A = arith.constant 0.000000e+00 : f32
    %max3A_22 = vector.broadcast %max3A : f32 to vector<200x1024xf32>
    %max3A_23 = arith.maximumf %add3A_21, %max3A_22 : vector<200x1024xf32>
    %convert_element_type3A_24 = arith.truncf %max3A_23 : vector<200x1024xf32> to vector<200x1024xbf16>
    %get3A_25 = arith.constant 0 : index
    %get3A_26 = arith.constant 0 : index
    %get3A_27 = vector.load %arg7[%get3A_25, %get3A_26] : memref<1024x2048xbf16, #tpu.memory_space<vmem>>, vector<1024x2048xbf16>
    %dot_general3A_28 = arith.constant dense<0.000000e+00> : vector<200x2048xf32>
    %dot_general3A_29 = tpu.matmul %convert_element_type3A_24, %get3A_27, %dot_general3A_28 {dimension_numbers = #tpu.dot_dimension_numbers<[1], [0], [0], [1], [0, 0, 1, 1], [], []>, transpose_lhs_hint = false} : vector<200x1024xbf16>, vector<1024x2048xbf16>, vector<200x2048xf32> -> vector<200x2048xf32>
    %eq3A = arith.constant 0 : i32
    %eq3A_30 = arith.cmpi eq, %arg1, %eq3A : i32
    %convert_element_type3A_31 = arith.extui %eq3A_30 : i1 to i32
    %cond3A = arith.constant 0 : i32
    %cond3A_32 = arith.cmpi ne, %convert_element_type3A_31, %cond3A : i32
    scf.if %cond3A_32 {
      %swap3A = arith.constant 0 : index
      %swap3A_42 = arith.constant 0 : index
      %swap3A_43 = vector.load %arg11[%swap3A, %swap3A_42] : memref<200x2048xf32, #tpu.memory_space<vmem>>, vector<200x2048xf32>
      tpu.vector_store %arg11[%swap3A, %swap3A_42], %dot_general3A_29 {strides = array<i32>} : memref<200x2048xf32, #tpu.memory_space<vmem>>, vector<200x2048xf32>,
    } else {
    }
    %gt3A = arith.constant 0 : i32
    %gt3A_33 = arith.cmpi sgt, %arg1, %gt3A : i32
    %convert_element_type3A_34 = arith.extui %gt3A_33 : i1 to i32
    %cond3A_35 = arith.constant 0 : i32
    %cond3A_36 = arith.cmpi ne, %convert_element_type3A_34, %cond3A_35 : i32
    scf.if %cond3A_36 {
      %get3A_42 = arith.constant 0 : index
      %get3A_43 = arith.constant 0 : index
      %get3A_44 = vector.load %arg11[%get3A_42, %get3A_43] : memref<200x2048xf32, #tpu.memory_space<vmem>>, vector<200x2048xf32>
      %max3A_45 = arith.maximumf %get3A_44, %dot_general3A_29 : vector<200x2048xf32>
      %swap3A = arith.constant 0 : index
      %swap3A_46 = arith.constant 0 : index
      %swap3A_47 = vector.load %arg11[%swap3A, %swap3A_46] : memref<200x2048xf32, #tpu.memory_space<vmem>>, vector<200x2048xf32>
      tpu.vector_store %arg11[%swap3A, %swap3A_46], %max3A_45 {strides = array<i32>} : memref<200x2048xf32, #tpu.memory_space<vmem>>, vector<200x2048xf32>,
    } else {
    }
    %eq3A_37 = arith.constant 7 : i32
    %eq3A_38 = arith.cmpi eq, %arg1, %eq3A_37 : i32
    %convert_element_type3A_39 = arith.extui %eq3A_38 : i1 to i32
    %cond3A_40 = arith.constant 0 : i32
    %cond3A_41 = arith.cmpi ne, %convert_element_type3A_39, %cond3A_40 : i32
    scf.if %cond3A_41 {
      %get3A_42 = arith.constant 0 : index
      %get3A_43 = arith.constant 0 : index
      %get3A_44 = vector.load %arg11[%get3A_42, %get3A_43] : memref<200x2048xf32, #tpu.memory_space<vmem>>, vector<200x2048xf32>
      %get3A_45 = arith.constant 0 : index
      %get3A_46 = arith.constant 0 : index
      %get3A_47 = vector.load %arg8[%get3A_45, %get3A_46] : memref<1x2048xf32, #tpu.memory_space<vmem>>, vector<1x2048xf32>
      %add3A_48 = vector.broadcast %get3A_47 : vector<1x2048xf32> to vector<200x2048xf32>
      %add3A_49 = arith.addf %get3A_44, %add3A_48 : vector<200x2048xf32>
      %swap3A = arith.constant 0 : index
      %swap3A_50 = arith.constant 0 : index
      %swap3A_51 = vector.load %arg9[%swap3A, %swap3A_50] : memref<200x2048xf32, #tpu.memory_space<vmem>>, vector<200x2048xf32>
      tpu.vector_store %arg9[%swap3A, %swap3A_50], %add3A_49 {strides = array<i32>} : memref<200x2048xf32, #tpu.memory_space<vmem>>, vector<200x2048xf32>,
      %mul3A = arith.mulf %add3A_49, %add3A_49 : vector<200x2048xf32>
      %reduce_sum3A = arith.constant dense<0.000000e+00> : vector<200xf32>
      %reduce_sum3A_52 = vector.multi_reduction <add>, %mul3A, %reduce_sum3A [1] : vector<200x2048xf32> to vector<200xf32>
      %broadcast_in_dim3A = vector.shape_cast %reduce_sum3A_52 : vector<200xf32> to vector<200x1xf32>
      %swap3A_53 = arith.constant 0 : index
      %swap3A_54 = arith.constant 0 : index
      %swap3A_55 = vector.load %arg10[%swap3A_53, %swap3A_54] : memref<200x1xf32, #tpu.memory_space<vmem>>, vector<200x1xf32>
      tpu.vector_store %arg10[%swap3A_53, %swap3A_54], %broadcast_in_dim3A {strides = array<i32>} : memref<200x1xf32, #tpu.memory_space<vmem>>, vector<200x1xf32>,
    } else {
    }
    return
  }
  func.func @transform_0(%arg0: i32, %arg1: i32) -> (i32, i32) {
    %c0_i32 = arith.constant 0 : i32
    %c0_i32_0 = arith.constant 0 : i32
    return %arg0, %c0_i32 : i32, i32
  }
  func.func @transform_1(%arg0: i32, %arg1: i32) -> (i32, i32, i32) {
    %c0_i32 = arith.constant 0 : i32
    %c0_i32_0 = arith.constant 0 : i32
    return %arg1, %arg0, %c0_i32 : i32, i32, i32
  }
  func.func @transform_2(%arg0: i32, %arg1: i32) -> (i32, i32) {
    %c0_i32 = arith.constant 0 : i32
    %c0_i32_0 = arith.constant 0 : i32
    %c0_i32_1 = arith.constant 0 : i32
    return %c0_i32, %c0_i32_0 : i32, i32
  }
  func.func @transform_3(%arg0: i32, %arg1: i32) -> (i32, i32) {
    %c0_i32 = arith.constant 0 : i32
    %c0_i32_0 = arith.constant 0 : i32
    %c0_i32_1 = arith.constant 0 : i32
    return %c0_i32, %c0_i32_0 : i32, i32
  }
  func.func @transform_4(%arg0: i32, %arg1: i32) -> (i32, i32) {
    %c0_i32 = arith.constant 0 : i32
    %c0_i32_0 = arith.constant 0 : i32
    %c0_i32_1 = arith.constant 0 : i32
    return %c0_i32, %c0_i32_0 : i32, i32
  }
  func.func @transform_5(%arg0: i32, %arg1: i32) -> (i32, i32) {
    %c0_i32 = arith.constant 0 : i32
    %c0_i32_0 = arith.constant 0 : i32
    %c0_i32_1 = arith.constant 0 : i32
    return %c0_i32, %c0_i32_0 : i32, i32
  }
  func.func @transform_6(%arg0: i32, %arg1: i32) -> (i32, i32) {
    %c0_i32 = arith.constant 0 : i32
    %c0_i32_0 = arith.constant 0 : i32
    %c0_i32_1 = arith.constant 0 : i32
    return %c0_i32, %c0_i32_0 : i32, i32
  }
  func.func @transform_7(%arg0: i32, %arg1: i32) -> (i32, i32) {
    %c0_i32 = arith.constant 0 : i32
    %c0_i32_0 = arith.constant 0 : i32
    return %arg0, %c0_i32 : i32, i32
  }
  func.func @transform_8(%arg0: i32, %arg1: i32) -> (i32, i32) {
    %c0_i32 = arith.constant 0 : i32
    %c0_i32_0 = arith.constant 0 : i32
    return %arg0, %c0_i32 : i32, i32
  }
}

module attributes {stable_mosaic.version = 14 : i64} {
  func.func @_uv_body(%arg0: i32, %arg1: memref<400x2048xf32, #tpu.memory_space<vmem>>, %arg2: memref<2048x1024xbf16, #tpu.memory_space<vmem>>, %arg3: memref<1x1024xf32, #tpu.memory_space<vmem>>, %arg4: memref<2048x1024xbf16, #tpu.memory_space<vmem>>, %arg5: memref<400x1024xf32, #tpu.memory_space<vmem>>, %arg6: memref<400x1024xf32, #tpu.memory_space<vmem>>) attributes {dimension_semantics = [#tpu.dimension_semantics<arbitrary>], iteration_bounds = array<i64: 25>, scalar_prefetch = 0 : i64, scratch_operands = 0 : i64, tpu.core_type = #tpu.core_type<tc>, window_params = [{transform_indices = @transform_0, window_bounds = array<i64: 400, 2048>}, {pipeline_mode = #tpu.pipeline_mode<synchronous>, transform_indices = @transform_1, window_bounds = array<i64: 2048, 1024>}, {pipeline_mode = #tpu.pipeline_mode<synchronous>, transform_indices = @transform_2, window_bounds = array<i64: 1, 1024>}, {pipeline_mode = #tpu.pipeline_mode<synchronous>, transform_indices = @transform_3, window_bounds = array<i64: 2048, 1024>}, {transform_indices = @transform_4, window_bounds = array<i64: 400, 1024>}, {transform_indices = @transform_5, window_bounds = array<i64: 400, 1024>}]} {
    %get3A = arith.constant 0 : index
    %get3A_0 = arith.constant 0 : index
    %get3A_1 = vector.load %arg1[%get3A, %get3A_0] : memref<400x2048xf32, #tpu.memory_space<vmem>>, vector<400x2048xf32>
    %convert_element_type3A = arith.truncf %get3A_1 : vector<400x2048xf32> to vector<400x2048xbf16>
    %get3A_2 = arith.constant 0 : index
    %get3A_3 = arith.constant 0 : index
    %get3A_4 = vector.load %arg2[%get3A_2, %get3A_3] : memref<2048x1024xbf16, #tpu.memory_space<vmem>>, vector<2048x1024xbf16>
    %dot_general3A = arith.constant dense<0.000000e+00> : vector<400x1024xf32>
    %dot_general3A_5 = tpu.matmul %convert_element_type3A, %get3A_4, %dot_general3A {dimension_numbers = #tpu.dot_dimension_numbers<[1], [0], [0], [1], [0, 0, 1, 1], [], []>, transpose_lhs_hint = false} : vector<400x2048xbf16>, vector<2048x1024xbf16>, vector<400x1024xf32> -> vector<400x1024xf32>
    %get3A_6 = arith.constant 0 : index
    %get3A_7 = arith.constant 0 : index
    %get3A_8 = vector.load %arg3[%get3A_6, %get3A_7] : memref<1x1024xf32, #tpu.memory_space<vmem>>, vector<1x1024xf32>
    %add3A = vector.broadcast %get3A_8 : vector<1x1024xf32> to vector<400x1024xf32>
    %add3A_9 = arith.addf %dot_general3A_5, %add3A : vector<400x1024xf32>
    %swap3A = arith.constant 0 : index
    %swap3A_10 = arith.constant 0 : index
    %swap3A_11 = vector.load %arg5[%swap3A, %swap3A_10] : memref<400x1024xf32, #tpu.memory_space<vmem>>, vector<400x1024xf32>
    tpu.vector_store %arg5[%swap3A, %swap3A_10], %add3A_9 {strides = array<i32>} : memref<400x1024xf32, #tpu.memory_space<vmem>>, vector<400x1024xf32>,
    %get3A_12 = arith.constant 0 : index
    %get3A_13 = arith.constant 0 : index
    %get3A_14 = vector.load %arg4[%get3A_12, %get3A_13] : memref<2048x1024xbf16, #tpu.memory_space<vmem>>, vector<2048x1024xbf16>
    %dot_general3A_15 = arith.constant dense<0.000000e+00> : vector<400x1024xf32>
    %dot_general3A_16 = tpu.matmul %convert_element_type3A, %get3A_14, %dot_general3A_15 {dimension_numbers = #tpu.dot_dimension_numbers<[1], [0], [0], [1], [0, 0, 1, 1], [], []>, transpose_lhs_hint = false} : vector<400x2048xbf16>, vector<2048x1024xbf16>, vector<400x1024xf32> -> vector<400x1024xf32>
    %swap3A_17 = arith.constant 0 : index
    %swap3A_18 = arith.constant 0 : index
    %swap3A_19 = vector.load %arg6[%swap3A_17, %swap3A_18] : memref<400x1024xf32, #tpu.memory_space<vmem>>, vector<400x1024xf32>
    tpu.vector_store %arg6[%swap3A_17, %swap3A_18], %dot_general3A_16 {strides = array<i32>} : memref<400x1024xf32, #tpu.memory_space<vmem>>, vector<400x1024xf32>,
    return
  }
  func.func @transform_0(%arg0: i32) -> (i32, i32) {
    %c0_i32 = arith.constant 0 : i32
    %c0_i32_0 = arith.constant 0 : i32
    return %arg0, %c0_i32 : i32, i32
  }
  func.func @transform_1(%arg0: i32) -> (i32, i32) {
    %c0_i32 = arith.constant 0 : i32
    %c0_i32_0 = arith.constant 0 : i32
    %c0_i32_1 = arith.constant 0 : i32
    return %c0_i32, %c0_i32_0 : i32, i32
  }
  func.func @transform_2(%arg0: i32) -> (i32, i32) {
    %c0_i32 = arith.constant 0 : i32
    %c0_i32_0 = arith.constant 0 : i32
    %c0_i32_1 = arith.constant 0 : i32
    return %c0_i32, %c0_i32_0 : i32, i32
  }
  func.func @transform_3(%arg0: i32) -> (i32, i32) {
    %c0_i32 = arith.constant 0 : i32
    %c0_i32_0 = arith.constant 0 : i32
    %c0_i32_1 = arith.constant 0 : i32
    return %c0_i32, %c0_i32_0 : i32, i32
  }
  func.func @transform_4(%arg0: i32) -> (i32, i32) {
    %c0_i32 = arith.constant 0 : i32
    %c0_i32_0 = arith.constant 0 : i32
    return %arg0, %c0_i32 : i32, i32
  }
  func.func @transform_5(%arg0: i32) -> (i32, i32) {
    %c0_i32 = arith.constant 0 : i32
    %c0_i32_0 = arith.constant 0 : i32
    return %arg0, %c0_i32 : i32, i32
  }
}

module attributes {stable_mosaic.version = 14 : i64} {
  func.func @_knn_body(%arg0: i32, %arg1: i32, %arg2: memref<1000x2048xbf16, #tpu.memory_space<vmem>>, %arg3: memref<2048x1280xbf16, #tpu.memory_space<vmem>>, %arg4: memref<1000x1xf32, #tpu.memory_space<vmem>>, %arg5: memref<1x1280xf32, #tpu.memory_space<vmem>>, %arg6: memref<1000x8xi32, #tpu.memory_space<vmem>>, %arg7: memref<1000x8xf32, #tpu.memory_space<vmem>>, %arg8: memref<1000x8xi32, #tpu.memory_space<vmem>>, %arg9: memref<1000x1280xf32, #tpu.memory_space<vmem>>, %arg10: memref<1000x8xf32, #tpu.memory_space<vmem>>, %arg11: memref<1000x8xi32, #tpu.memory_space<vmem>>, %arg12: memref<1000x16xf32, #tpu.memory_space<vmem>>, %arg13: memref<1000x16xi32, #tpu.memory_space<vmem>>) attributes {dimension_semantics = [#tpu.dimension_semantics<parallel>, #tpu.dimension_semantics<arbitrary>], iteration_bounds = array<i64: 10, 8>, scalar_prefetch = 0 : i64, scratch_operands = 7 : i64, tpu.core_type = #tpu.core_type<tc>, window_params = [{transform_indices = @transform_0, window_bounds = array<i64: 1000, 2048>}, {transform_indices = @transform_1, window_bounds = array<i64: 2048, 1280>}, {transform_indices = @transform_2, window_bounds = array<i64: 1000, 1>}, {transform_indices = @transform_3, window_bounds = array<i64: 1, 1280>}, {transform_indices = @transform_4, window_bounds = array<i64: 1000, 8>}]} {
    %eq3A = arith.constant 0 : i32
    %eq3A_0 = arith.cmpi eq, %arg1, %eq3A : i32
    %convert_element_type3A = arith.extui %eq3A_0 : i1 to i32
    %cond3A = arith.constant 0 : i32
    %cond3A_1 = arith.cmpi ne, %convert_element_type3A, %cond3A : i32
    scf.if %cond3A_1 {
      %broadcast_in_dim3A = arith.constant 3.000000e+38 : f32
      %broadcast_in_dim3A_55 = vector.broadcast %broadcast_in_dim3A : f32 to vector<1000x8xf32>
      %swap3A_56 = arith.constant 0 : index
      %swap3A_57 = arith.constant 0 : index
      %swap3A_58 = vector.load %arg7[%swap3A_56, %swap3A_57] : memref<1000x8xf32, #tpu.memory_space<vmem>>, vector<1000x8xf32>
      tpu.vector_store %arg7[%swap3A_56, %swap3A_57], %broadcast_in_dim3A_55 {strides = array<i32>} : memref<1000x8xf32, #tpu.memory_space<vmem>>, vector<1000x8xf32>,
      %broadcast_in_dim3A_59 = arith.constant 1073741824 : i32
      %broadcast_in_dim3A_60 = vector.broadcast %broadcast_in_dim3A_59 : i32 to vector<1000x8xi32>
      %swap3A_61 = arith.constant 0 : index
      %swap3A_62 = arith.constant 0 : index
      %swap3A_63 = vector.load %arg8[%swap3A_61, %swap3A_62] : memref<1000x8xi32, #tpu.memory_space<vmem>>, vector<1000x8xi32>
      tpu.vector_store %arg8[%swap3A_61, %swap3A_62], %broadcast_in_dim3A_60 {strides = array<i32>} : memref<1000x8xi32, #tpu.memory_space<vmem>>, vector<1000x8xi32>,
    } else {
    }
    %get3A = arith.constant 0 : index
    %get3A_2 = arith.constant 0 : index
    %get3A_3 = vector.load %arg2[%get3A, %get3A_2] : memref<1000x2048xbf16, #tpu.memory_space<vmem>>, vector<1000x2048xbf16>
    %get3A_4 = arith.constant 0 : index
    %get3A_5 = arith.constant 0 : index
    %get3A_6 = vector.load %arg3[%get3A_4, %get3A_5] : memref<2048x1280xbf16, #tpu.memory_space<vmem>>, vector<2048x1280xbf16>
    %dot_general3A = arith.constant dense<0.000000e+00> : vector<1000x1280xf32>
    %dot_general3A_7 = tpu.matmul %get3A_3, %get3A_6, %dot_general3A {dimension_numbers = #tpu.dot_dimension_numbers<[1], [0], [0], [1], [0, 0, 1, 1], [], []>, transpose_lhs_hint = false} : vector<1000x2048xbf16>, vector<2048x1280xbf16>, vector<1000x1280xf32> -> vector<1000x1280xf32>
    %get3A_8 = arith.constant 0 : index
    %get3A_9 = arith.constant 0 : index
    %get3A_10 = vector.load %arg4[%get3A_8, %get3A_9] : memref<1000x1xf32, #tpu.memory_space<vmem>>, vector<1000x1xf32>
    %get3A_11 = arith.constant 0 : index
    %get3A_12 = arith.constant 0 : index
    %get3A_13 = vector.load %arg5[%get3A_11, %get3A_12] : memref<1x1280xf32, #tpu.memory_space<vmem>>, vector<1x1280xf32>
    %add3A = vector.broadcast %get3A_10 : vector<1000x1xf32> to vector<1000x1280xf32>
    %add3A_14 = vector.broadcast %get3A_13 : vector<1x1280xf32> to vector<1000x1280xf32>
    %add3A_15 = arith.addf %add3A, %add3A_14 : vector<1000x1280xf32>
    %mul3A = arith.constant 2.000000e+00 : f32
    %mul3A_16 = vector.broadcast %mul3A : f32 to vector<1000x1280xf32>
    %mul3A_17 = arith.mulf %mul3A_16, %dot_general3A_7 : vector<1000x1280xf32>
    %sub3A = arith.subf %add3A_15, %mul3A_17 : vector<1000x1280xf32>
    %swap3A = arith.constant 0 : index
    %swap3A_18 = arith.constant 0 : index
    %swap3A_19 = vector.load %arg9[%swap3A, %swap3A_18] : memref<1000x1280xf32, #tpu.memory_space<vmem>>, vector<1000x1280xf32>
    tpu.vector_store %arg9[%swap3A, %swap3A_18], %sub3A {strides = array<i32>} : memref<1000x1280xf32, #tpu.memory_space<vmem>>, vector<1000x1280xf32>,
    %iota3A = tpu.iota {dimensions = array<i32: 1>} : vector<1000x1280xi32>
    %iota3A_20 = tpu.iota {dimensions = array<i32: 1>} : vector<1000x8xi32>
    %scan3A = arith.constant 0 : i32
    %scan3A_21 = arith.constant 8 : i32
    %scan3A_22 = arith.addi %scan3A, %scan3A_21 : i32
    %scan3A_23 = arith.constant 1 : i32
    scf.for %scan3A_55 = %scan3A to %scan3A_22 step %scan3A_23  : i32 {
      %get3A_56 = arith.constant 0 : index
      %get3A_57 = arith.constant 0 : index
      %get3A_58 = vector.load %arg9[%get3A_56, %get3A_57] : memref<1000x1280xf32, #tpu.memory_space<vmem>>, vector<1000x1280xf32>
      %reduce_min3A = arith.constant dense<0x7F800000> : vector<1000xf32>
      %reduce_min3A_59 = vector.multi_reduction <minimumf>, %get3A_58, %reduce_min3A [1] : vector<1000x1280xf32> to vector<1000xf32>
      %broadcast_in_dim3A = vector.shape_cast %reduce_min3A_59 : vector<1000xf32> to vector<1000x1xf32>
      %eq3A_60 = vector.broadcast %broadcast_in_dim3A : vector<1000x1xf32> to vector<1000x1280xf32>
      %eq3A_61 = arith.cmpf oeq, %get3A_58, %eq3A_60 : vector<1000x1280xf32>
      %jit3A = arith.constant 1073741824 : i32
      %broadcast_in_dim3A_62 = vector.broadcast %jit3A : i32 to vector<1000x1280xi32>
      %select_n3A = arith.select %eq3A_61, %iota3A, %broadcast_in_dim3A_62 : vector<1000x1280xi1>, vector<1000x1280xi32>
      %reduce_min3A_63 = arith.constant dense<2147483647> : vector<1000xi32>
      %reduce_min3A_64 = vector.multi_reduction <minsi>, %select_n3A, %reduce_min3A_63 [1] : vector<1000x1280xi32> to vector<1000xi32>
      %broadcast_in_dim3A_65 = vector.shape_cast %reduce_min3A_64 : vector<1000xi32> to vector<1000x1xi32>
      %eq3A_66 = vector.broadcast %scan3A_55 : i32 to vector<1000x8xi32>
      %eq3A_67 = arith.cmpi eq, %iota3A_20, %eq3A_66 : vector<1000x8xi32>
      %get3A_68 = arith.constant 0 : index
      %get3A_69 = arith.constant 0 : index
      %get3A_70 = vector.load %arg10[%get3A_68, %get3A_69] : memref<1000x8xf32, #tpu.memory_space<vmem>>, vector<1000x8xf32>
      %broadcast_in_dim3A_71 = vector.shape_cast %broadcast_in_dim3A : vector<1000x1xf32> to vector<1000x1xf32>
      %broadcast_in_dim3A_72 = vector.broadcast %broadcast_in_dim3A_71 : vector<1000x1xf32> to vector<1000x8xf32>
      %select_n3A_73 = arith.select %eq3A_67, %broadcast_in_dim3A_72, %get3A_70 : vector<1000x8xi1>, vector<1000x8xf32>
      %swap3A_74 = arith.constant 0 : index
      %swap3A_75 = arith.constant 0 : index
      %swap3A_76 = vector.load %arg10[%swap3A_74, %swap3A_75] : memref<1000x8xf32, #tpu.memory_space<vmem>>, vector<1000x8xf32>
      tpu.vector_store %arg10[%swap3A_74, %swap3A_75], %select_n3A_73 {strides = array<i32>} : memref<1000x8xf32, #tpu.memory_space<vmem>>, vector<1000x8xf32>,
      %eq3A_77 = vector.broadcast %scan3A_55 : i32 to vector<1000x8xi32>
      %eq3A_78 = arith.cmpi eq, %iota3A_20, %eq3A_77 : vector<1000x8xi32>
      %mul3A_79 = arith.constant 1280 : i32
      %mul3A_80 = arith.muli %arg1, %mul3A_79 : i32
      %add3A_81 = vector.broadcast %mul3A_80 : i32 to vector<1000x1xi32>
      %add3A_82 = arith.addi %broadcast_in_dim3A_65, %add3A_81 : vector<1000x1xi32>
      %get3A_83 = arith.constant 0 : index
      %get3A_84 = arith.constant 0 : index
      %get3A_85 = vector.load %arg11[%get3A_83, %get3A_84] : memref<1000x8xi32, #tpu.memory_space<vmem>>, vector<1000x8xi32>
      %broadcast_in_dim3A_86 = vector.shape_cast %add3A_82 : vector<1000x1xi32> to vector<1000x1xi32>
      %broadcast_in_dim3A_87 = vector.broadcast %broadcast_in_dim3A_86 : vector<1000x1xi32> to vector<1000x8xi32>
      %select_n3A_88 = arith.select %eq3A_78, %broadcast_in_dim3A_87, %get3A_85 : vector<1000x8xi1>, vector<1000x8xi32>
      %swap3A_89 = arith.constant 0 : index
      %swap3A_90 = arith.constant 0 : index
      %swap3A_91 = vector.load %arg11[%swap3A_89, %swap3A_90] : memref<1000x8xi32, #tpu.memory_space<vmem>>, vector<1000x8xi32>
      tpu.vector_store %arg11[%swap3A_89, %swap3A_90], %select_n3A_88 {strides = array<i32>} : memref<1000x8xi32, #tpu.memory_space<vmem>>, vector<1000x8xi32>,
      %eq3A_92 = vector.broadcast %broadcast_in_dim3A_65 : vector<1000x1xi32> to vector<1000x1280xi32>
      %eq3A_93 = arith.cmpi eq, %iota3A, %eq3A_92 : vector<1000x1280xi32>
      %jit3A_94 = arith.constant 3.000000e+38 : f32
      %broadcast_in_dim3A_95 = vector.broadcast %jit3A_94 : f32 to vector<1000x1280xf32>
      %select_n3A_96 = arith.select %eq3A_93, %broadcast_in_dim3A_95, %get3A_58 : vector<1000x1280xi1>, vector<1000x1280xf32>
      %swap3A_97 = arith.constant 0 : index
      %swap3A_98 = arith.constant 0 : index
      %swap3A_99 = vector.load %arg9[%swap3A_97, %swap3A_98] : memref<1000x1280xf32, #tpu.memory_space<vmem>>, vector<1000x1280xf32>
      tpu.vector_store %arg9[%swap3A_97, %swap3A_98], %select_n3A_96 {strides = array<i32>} : memref<1000x1280xf32, #tpu.memory_space<vmem>>, vector<1000x1280xf32>,
    }
    %scan3A_24 = arith.constant 8 : i32
    %get3A_25 = arith.constant 0 : index
    %get3A_26 = arith.constant 0 : index
    %get3A_27 = vector.load %arg7[%get3A_25, %get3A_26] : memref<1000x8xf32, #tpu.memory_space<vmem>>, vector<1000x8xf32>
    %get3A_28 = arith.constant 0 : index
    %get3A_29 = arith.constant 0 : index
    %get3A_30 = vector.load %arg10[%get3A_28, %get3A_29] : memref<1000x8xf32, #tpu.memory_space<vmem>>, vector<1000x8xf32>
    %concatenate3A = tpu.concatenate %get3A_27, %get3A_30 in 1 : vector<1000x8xf32>, vector<1000x8xf32> -> vector<1000x16xf32>
    %swap3A_31 = arith.constant 0 : index
    %swap3A_32 = arith.constant 0 : index
    %swap3A_33 = vector.load %arg12[%swap3A_31, %swap3A_32] : memref<1000x16xf32, #tpu.memory_space<vmem>>, vector<1000x16xf32>
    tpu.vector_store %arg12[%swap3A_31, %swap3A_32], %concatenate3A {strides = array<i32>} : memref<1000x16xf32, #tpu.memory_space<vmem>>, vector<1000x16xf32>,
    %get3A_34 = arith.constant 0 : index
    %get3A_35 = arith.constant 0 : index
    %get3A_36 = vector.load %arg8[%get3A_34, %get3A_35] : memref<1000x8xi32, #tpu.memory_space<vmem>>, vector<1000x8xi32>
    %get3A_37 = arith.constant 0 : index
    %get3A_38 = arith.constant 0 : index
    %get3A_39 = vector.load %arg11[%get3A_37, %get3A_38] : memref<1000x8xi32, #tpu.memory_space<vmem>>, vector<1000x8xi32>
    %concatenate3A_40 = tpu.concatenate %get3A_36, %get3A_39 in 1 : vector<1000x8xi32>, vector<1000x8xi32> -> vector<1000x16xi32>
    %swap3A_41 = arith.constant 0 : index
    %swap3A_42 = arith.constant 0 : index
    %swap3A_43 = vector.load %arg13[%swap3A_41, %swap3A_42] : memref<1000x16xi32, #tpu.memory_space<vmem>>, vector<1000x16xi32>
    tpu.vector_store %arg13[%swap3A_41, %swap3A_42], %concatenate3A_40 {strides = array<i32>} : memref<1000x16xi32, #tpu.memory_space<vmem>>, vector<1000x16xi32>,
    %iota3A_44 = tpu.iota {dimensions = array<i32: 1>} : vector<1000x16xi32>
    %scan3A_45 = arith.constant 0 : i32
    %scan3A_46 = arith.constant 8 : i32
    %scan3A_47 = arith.addi %scan3A_45, %scan3A_46 : i32
    %scan3A_48 = arith.constant 1 : i32
    scf.for %scan3A_55 = %scan3A_45 to %scan3A_47 step %scan3A_48  : i32 {
      %get3A_56 = arith.constant 0 : index
      %get3A_57 = arith.constant 0 : index
      %get3A_58 = vector.load %arg12[%get3A_56, %get3A_57] : memref<1000x16xf32, #tpu.memory_space<vmem>>, vector<1000x16xf32>
      %reduce_min3A = arith.constant dense<0x7F800000> : vector<1000xf32>
      %reduce_min3A_59 = vector.multi_reduction <minimumf>, %get3A_58, %reduce_min3A [1] : vector<1000x16xf32> to vector<1000xf32>
      %broadcast_in_dim3A = vector.shape_cast %reduce_min3A_59 : vector<1000xf32> to vector<1000x1xf32>
      %eq3A_60 = vector.broadcast %broadcast_in_dim3A : vector<1000x1xf32> to vector<1000x16xf32>
      %eq3A_61 = arith.cmpf oeq, %get3A_58, %eq3A_60 : vector<1000x16xf32>
      %jit3A = arith.constant 1073741824 : i32
      %broadcast_in_dim3A_62 = vector.broadcast %jit3A : i32 to vector<1000x16xi32>
      %select_n3A = arith.select %eq3A_61, %iota3A_44, %broadcast_in_dim3A_62 : vector<1000x16xi1>, vector<1000x16xi32>
      %reduce_min3A_63 = arith.constant dense<2147483647> : vector<1000xi32>
      %reduce_min3A_64 = vector.multi_reduction <minsi>, %select_n3A, %reduce_min3A_63 [1] : vector<1000x16xi32> to vector<1000xi32>
      %broadcast_in_dim3A_65 = vector.shape_cast %reduce_min3A_64 : vector<1000xi32> to vector<1000x1xi32>
      %eq3A_66 = vector.broadcast %broadcast_in_dim3A_65 : vector<1000x1xi32> to vector<1000x16xi32>
      %eq3A_67 = arith.cmpi eq, %iota3A_44, %eq3A_66 : vector<1000x16xi32>
      %get3A_68 = arith.constant 0 : index
      %get3A_69 = arith.constant 0 : index
      %get3A_70 = vector.load %arg13[%get3A_68, %get3A_69] : memref<1000x16xi32, #tpu.memory_space<vmem>>, vector<1000x16xi32>
      %jit3A_71 = arith.constant 1073741824 : i32
      %broadcast_in_dim3A_72 = vector.broadcast %jit3A_71 : i32 to vector<1000x16xi32>
      %select_n3A_73 = arith.select %eq3A_67, %get3A_70, %broadcast_in_dim3A_72 : vector<1000x16xi1>, vector<1000x16xi32>
      %reduce_min3A_74 = arith.constant dense<2147483647> : vector<1000xi32>
      %reduce_min3A_75 = vector.multi_reduction <minsi>, %select_n3A_73, %reduce_min3A_74 [1] : vector<1000x16xi32> to vector<1000xi32>
      %broadcast_in_dim3A_76 = vector.shape_cast %reduce_min3A_75 : vector<1000xi32> to vector<1000x1xi32>
      %eq3A_77 = vector.broadcast %scan3A_55 : i32 to vector<1000x8xi32>
      %eq3A_78 = arith.cmpi eq, %iota3A_20, %eq3A_77 : vector<1000x8xi32>
      %get3A_79 = arith.constant 0 : index
      %get3A_80 = arith.constant 0 : index
      %get3A_81 = vector.load %arg7[%get3A_79, %get3A_80] : memref<1000x8xf32, #tpu.memory_space<vmem>>, vector<1000x8xf32>
      %broadcast_in_dim3A_82 = vector.shape_cast %broadcast_in_dim3A : vector<1000x1xf32> to vector<1000x1xf32>
      %broadcast_in_dim3A_83 = vector.broadcast %broadcast_in_dim3A_82 : vector<1000x1xf32> to vector<1000x8xf32>
      %select_n3A_84 = arith.select %eq3A_78, %broadcast_in_dim3A_83, %get3A_81 : vector<1000x8xi1>, vector<1000x8xf32>
      %swap3A_85 = arith.constant 0 : index
      %swap3A_86 = arith.constant 0 : index
      %swap3A_87 = vector.load %arg7[%swap3A_85, %swap3A_86] : memref<1000x8xf32, #tpu.memory_space<vmem>>, vector<1000x8xf32>
      tpu.vector_store %arg7[%swap3A_85, %swap3A_86], %select_n3A_84 {strides = array<i32>} : memref<1000x8xf32, #tpu.memory_space<vmem>>, vector<1000x8xf32>,
      %eq3A_88 = vector.broadcast %scan3A_55 : i32 to vector<1000x8xi32>
      %eq3A_89 = arith.cmpi eq, %iota3A_20, %eq3A_88 : vector<1000x8xi32>
      %get3A_90 = arith.constant 0 : index
      %get3A_91 = arith.constant 0 : index
      %get3A_92 = vector.load %arg8[%get3A_90, %get3A_91] : memref<1000x8xi32, #tpu.memory_space<vmem>>, vector<1000x8xi32>
      %broadcast_in_dim3A_93 = vector.shape_cast %broadcast_in_dim3A_76 : vector<1000x1xi32> to vector<1000x1xi32>
      %broadcast_in_dim3A_94 = vector.broadcast %broadcast_in_dim3A_93 : vector<1000x1xi32> to vector<1000x8xi32>
      %select_n3A_95 = arith.select %eq3A_89, %broadcast_in_dim3A_94, %get3A_92 : vector<1000x8xi1>, vector<1000x8xi32>
      %swap3A_96 = arith.constant 0 : index
      %swap3A_97 = arith.constant 0 : index
      %swap3A_98 = vector.load %arg8[%swap3A_96, %swap3A_97] : memref<1000x8xi32, #tpu.memory_space<vmem>>, vector<1000x8xi32>
      tpu.vector_store %arg8[%swap3A_96, %swap3A_97], %select_n3A_95 {strides = array<i32>} : memref<1000x8xi32, #tpu.memory_space<vmem>>, vector<1000x8xi32>,
      %eq3A_99 = vector.broadcast %broadcast_in_dim3A_65 : vector<1000x1xi32> to vector<1000x16xi32>
      %eq3A_100 = arith.cmpi eq, %iota3A_44, %eq3A_99 : vector<1000x16xi32>
      %jit3A_101 = arith.constant 3.000000e+38 : f32
      %broadcast_in_dim3A_102 = vector.broadcast %jit3A_101 : f32 to vector<1000x16xf32>
      %select_n3A_103 = arith.select %eq3A_100, %broadcast_in_dim3A_102, %get3A_58 : vector<1000x16xi1>, vector<1000x16xf32>
      %swap3A_104 = arith.constant 0 : index
      %swap3A_105 = arith.constant 0 : index
      %swap3A_106 = vector.load %arg12[%swap3A_104, %swap3A_105] : memref<1000x16xf32, #tpu.memory_space<vmem>>, vector<1000x16xf32>
      tpu.vector_store %arg12[%swap3A_104, %swap3A_105], %select_n3A_103 {strides = array<i32>} : memref<1000x16xf32, #tpu.memory_space<vmem>>, vector<1000x16xf32>,
    }
    %scan3A_49 = arith.constant 8 : i32
    %eq3A_50 = arith.constant 7 : i32
    %eq3A_51 = arith.cmpi eq, %arg1, %eq3A_50 : i32
    %convert_element_type3A_52 = arith.extui %eq3A_51 : i1 to i32
    %cond3A_53 = arith.constant 0 : i32
    %cond3A_54 = arith.cmpi ne, %convert_element_type3A_52, %cond3A_53 : i32
    scf.if %cond3A_54 {
      %get3A_55 = arith.constant 0 : index
      %get3A_56 = arith.constant 0 : index
      %get3A_57 = vector.load %arg8[%get3A_55, %get3A_56] : memref<1000x8xi32, #tpu.memory_space<vmem>>, vector<1000x8xi32>
      %swap3A_58 = arith.constant 0 : index
      %swap3A_59 = arith.constant 0 : index
      %swap3A_60 = vector.load %arg6[%swap3A_58, %swap3A_59] : memref<1000x8xi32, #tpu.memory_space<vmem>>, vector<1000x8xi32>
      tpu.vector_store %arg6[%swap3A_58, %swap3A_59], %get3A_57 {strides = array<i32>} : memref<1000x8xi32, #tpu.memory_space<vmem>>, vector<1000x8xi32>,
    } else {
    }
    return
  }
  func.func @transform_0(%arg0: i32, %arg1: i32) -> (i32, i32) {
    %c0_i32 = arith.constant 0 : i32
    %c0_i32_0 = arith.constant 0 : i32
    return %arg0, %c0_i32 : i32, i32
  }
  func.func @transform_1(%arg0: i32, %arg1: i32) -> (i32, i32) {
    %c0_i32 = arith.constant 0 : i32
    %c0_i32_0 = arith.constant 0 : i32
    return %c0_i32, %arg1 : i32, i32
  }
  func.func @transform_2(%arg0: i32, %arg1: i32) -> (i32, i32) {
    %c0_i32 = arith.constant 0 : i32
    %c0_i32_0 = arith.constant 0 : i32
    return %arg0, %c0_i32 : i32, i32
  }
  func.func @transform_3(%arg0: i32, %arg1: i32) -> (i32, i32) {
    %c0_i32 = arith.constant 0 : i32
    %c0_i32_0 = arith.constant 0 : i32
    return %c0_i32, %arg1 : i32, i32
  }
  func.func @transform_4(%arg0: i32, %arg1: i32) -> (i32, i32) {
    %c0_i32 = arith.constant 0 : i32
    %c0_i32_0 = arith.constant 0 : i32
    return %arg0, %c0_i32 : i32, i32
  }
}

module attributes {stable_mosaic.version = 14 : i64} {
  func.func @_conv2_body(%arg0: i32, %arg1: i32, %arg2: memref<200x1024xf32, #tpu.memory_space<vmem>>, %arg3: memref<1x200x1024xf32, #tpu.memory_space<vmem>>, %arg4: memref<1024x512xbf16, #tpu.memory_space<vmem>>, %arg5: memref<1x512xf32, #tpu.memory_space<vmem>>, %arg6: memref<200x512xf32, #tpu.memory_space<vmem>>, %arg7: memref<200x512xf32, #tpu.memory_space<vmem>>) attributes {dimension_semantics = [#tpu.dimension_semantics<parallel>, #tpu.dimension_semantics<arbitrary>], iteration_bounds = array<i64: 50, 8>, scalar_prefetch = 0 : i64, scratch_operands = 1 : i64, tpu.core_type = #tpu.core_type<tc>, window_params = [{transform_indices = @transform_0, window_bounds = array<i64: 200, 1024>}, {transform_indices = @transform_1, window_bounds = array<i64: 1, 200, 1024>}, {pipeline_mode = #tpu.pipeline_mode<synchronous>, transform_indices = @transform_2, window_bounds = array<i64: 1024, 512>}, {pipeline_mode = #tpu.pipeline_mode<synchronous>, transform_indices = @transform_3, window_bounds = array<i64: 1, 512>}, {transform_indices = @transform_4, window_bounds = array<i64: 200, 512>}]} {
    %get3A = arith.constant 0 : index
    %get3A_0 = arith.constant 0 : index
    %get3A_1 = vector.load %arg2[%get3A, %get3A_0] : memref<200x1024xf32, #tpu.memory_space<vmem>>, vector<200x1024xf32>
    %get3A_2 = arith.constant 0 : index
    %get3A_3 = arith.constant 0 : index
    %get3A_4 = arith.constant 0 : index
    %get3A_5 = vector.load %arg3[%get3A_2, %get3A_3, %get3A_4] : memref<1x200x1024xf32, #tpu.memory_space<vmem>>, vector<1x200x1024xf32>
    %get3A_6 = vector.shape_cast %get3A_5 : vector<1x200x1024xf32> to vector<200x1024xf32>
    %add3A = arith.addf %get3A_1, %get3A_6 : vector<200x1024xf32>
    %max3A = arith.constant 0.000000e+00 : f32
    %max3A_7 = vector.broadcast %max3A : f32 to vector<200x1024xf32>
    %max3A_8 = arith.maximumf %add3A, %max3A_7 : vector<200x1024xf32>
    %convert_element_type3A = arith.truncf %max3A_8 : vector<200x1024xf32> to vector<200x1024xbf16>
    %get3A_9 = arith.constant 0 : index
    %get3A_10 = arith.constant 0 : index
    %get3A_11 = vector.load %arg4[%get3A_9, %get3A_10] : memref<1024x512xbf16, #tpu.memory_space<vmem>>, vector<1024x512xbf16>
    %dot_general3A = arith.constant dense<0.000000e+00> : vector<200x512xf32>
    %dot_general3A_12 = tpu.matmul %convert_element_type3A, %get3A_11, %dot_general3A {dimension_numbers = #tpu.dot_dimension_numbers<[1], [0], [0], [1], [0, 0, 1, 1], [], []>, transpose_lhs_hint = false} : vector<200x1024xbf16>, vector<1024x512xbf16>, vector<200x512xf32> -> vector<200x512xf32>
    %eq3A = arith.constant 0 : i32
    %eq3A_13 = arith.cmpi eq, %arg1, %eq3A : i32
    %convert_element_type3A_14 = arith.extui %eq3A_13 : i1 to i32
    %cond3A = arith.constant 0 : i32
    %cond3A_15 = arith.cmpi ne, %convert_element_type3A_14, %cond3A : i32
    scf.if %cond3A_15 {
      %swap3A = arith.constant 0 : index
      %swap3A_25 = arith.constant 0 : index
      %swap3A_26 = vector.load %arg7[%swap3A, %swap3A_25] : memref<200x512xf32, #tpu.memory_space<vmem>>, vector<200x512xf32>
      tpu.vector_store %arg7[%swap3A, %swap3A_25], %dot_general3A_12 {strides = array<i32>} : memref<200x512xf32, #tpu.memory_space<vmem>>, vector<200x512xf32>,
    } else {
    }
    %gt3A = arith.constant 0 : i32
    %gt3A_16 = arith.cmpi sgt, %arg1, %gt3A : i32
    %convert_element_type3A_17 = arith.extui %gt3A_16 : i1 to i32
    %cond3A_18 = arith.constant 0 : i32
    %cond3A_19 = arith.cmpi ne, %convert_element_type3A_17, %cond3A_18 : i32
    scf.if %cond3A_19 {
      %get3A_25 = arith.constant 0 : index
      %get3A_26 = arith.constant 0 : index
      %get3A_27 = vector.load %arg7[%get3A_25, %get3A_26] : memref<200x512xf32, #tpu.memory_space<vmem>>, vector<200x512xf32>
      %max3A_28 = arith.maximumf %get3A_27, %dot_general3A_12 : vector<200x512xf32>
      %swap3A = arith.constant 0 : index
      %swap3A_29 = arith.constant 0 : index
      %swap3A_30 = vector.load %arg7[%swap3A, %swap3A_29] : memref<200x512xf32, #tpu.memory_space<vmem>>, vector<200x512xf32>
      tpu.vector_store %arg7[%swap3A, %swap3A_29], %max3A_28 {strides = array<i32>} : memref<200x512xf32, #tpu.memory_space<vmem>>, vector<200x512xf32>,
    } else {
    }
    %eq3A_20 = arith.constant 7 : i32
    %eq3A_21 = arith.cmpi eq, %arg1, %eq3A_20 : i32
    %convert_element_type3A_22 = arith.extui %eq3A_21 : i1 to i32
    %cond3A_23 = arith.constant 0 : i32
    %cond3A_24 = arith.cmpi ne, %convert_element_type3A_22, %cond3A_23 : i32
    scf.if %cond3A_24 {
      %get3A_25 = arith.constant 0 : index
      %get3A_26 = arith.constant 0 : index
      %get3A_27 = vector.load %arg7[%get3A_25, %get3A_26] : memref<200x512xf32, #tpu.memory_space<vmem>>, vector<200x512xf32>
      %get3A_28 = arith.constant 0 : index
      %get3A_29 = arith.constant 0 : index
      %get3A_30 = vector.load %arg5[%get3A_28, %get3A_29] : memref<1x512xf32, #tpu.memory_space<vmem>>, vector<1x512xf32>
      %add3A_31 = vector.broadcast %get3A_30 : vector<1x512xf32> to vector<200x512xf32>
      %add3A_32 = arith.addf %get3A_27, %add3A_31 : vector<200x512xf32>
      %swap3A = arith.constant 0 : index
      %swap3A_33 = arith.constant 0 : index
      %swap3A_34 = vector.load %arg6[%swap3A, %swap3A_33] : memref<200x512xf32, #tpu.memory_space<vmem>>, vector<200x512xf32>
      tpu.vector_store %arg6[%swap3A, %swap3A_33], %add3A_32 {strides = array<i32>} : memref<200x512xf32, #tpu.memory_space<vmem>>, vector<200x512xf32>,
    } else {
    }
    return
  }
  func.func @transform_0(%arg0: i32, %arg1: i32) -> (i32, i32) {
    %c0_i32 = arith.constant 0 : i32
    %c0_i32_0 = arith.constant 0 : i32
    return %arg0, %c0_i32 : i32, i32
  }
  func.func @transform_1(%arg0: i32, %arg1: i32) -> (i32, i32, i32) {
    %c0_i32 = arith.constant 0 : i32
    %c0_i32_0 = arith.constant 0 : i32
    return %arg1, %arg0, %c0_i32 : i32, i32, i32
  }
  func.func @transform_2(%arg0: i32, %arg1: i32) -> (i32, i32) {
    %c0_i32 = arith.constant 0 : i32
    %c0_i32_0 = arith.constant 0 : i32
    %c0_i32_1 = arith.constant 0 : i32
    return %c0_i32, %c0_i32_0 : i32, i32
  }
  func.func @transform_3(%arg0: i32, %arg1: i32) -> (i32, i32) {
    %c0_i32 = arith.constant 0 : i32
    %c0_i32_0 = arith.constant 0 : i32
    %c0_i32_1 = arith.constant 0 : i32
    return %c0_i32, %c0_i32_0 : i32, i32
  }
  func.func @transform_4(%arg0: i32, %arg1: i32) -> (i32, i32) {
    %c0_i32 = arith.constant 0 : i32
    %c0_i32_0 = arith.constant 0 : i32
    return %arg0, %c0_i32 : i32, i32
  }
}

</mosaic_0001>

<sc_bundles>
// kernel: kernel.10.cloned.1.call-start
scs
__scs_entry_jumppad:
0x0: {  	(pc) =	sbr.rel $0x88, $3  }
0x1: {  	(tag) =	ssettag $0x0;
	lr =	simm.s32 $0x1  }
0x2: {  	[smem:$0x3F94] =	sst lr;
	_ =	strace $0xD0000000  }
0x3: {  	_ = 	snop  }
0x4: {  	_ = 	snop  }
0x5: {  	_ = 	snop  }
0x6: {  	_ = 	snop  }
0x7: {  	_ = 	snop  }
__scs_overlays_trampoline_lowered:
0x8: {  	[smem:$0x3FA3] =	sst s0  }
0x9: {  	[smem:$0x3FA4] =	sst s1  }
0xa: {  	[smem:$0x3FA5] =	sst s2  }
0xb: {  	[smem:$0x3FA6] =	sst s3  }
0xc: {  	[smem:$0x3FA7] =	sst s4  }
0xd: {  	[smem:$0x3FA8] =	sst s5  }
0xe: {  	[smem:$0x3FA9] =	sst s6  }
0xf: {  	[smem:$0x3FAA] =	sst s7  }
0x10: {  	[smem:$0x3FAB] =	sst s8  }
0x11: {  	[smem:$0x3FAC] =	sst s9;
	s0 =	simm.s32 @!p0 $0x0  }
0x12: {  	s1 =	sld [smem:$0x3F92];
	s0 =	simm.s32 @p0 $0x1  }
0x13: {  	[smem:$0x3FAD] =	sst s0;
	s0 =	simm.s32 @!p1 $0x0  }
0x14: {  	s2 =	sld [smem:$0x3F91];
	s0 =	simm.s32 @p1 $0x1  }
0x15: {  	[smem:$0x3FAE] =	sst s0;
	s0 =	simm.s32 @!p2 $0x0  }
0x16: {  	s3 =	sld [smem:$0x3FDB];
	s0 =	simm.s32 @p2 $0x1  }
0x17: {  	s4 =	simm.s32 $0x1BF5;
	[smem:$0x3FB0] =	sst s0  }
0x18: {  	s0 =	sld [smem:$0x3F93];
	_ =	swait.ge [sflag:s4], $0x0  }
0x19: {  	s7 =	sld [smem:$0x3F94]  }
0x1a: {  	s8 =	sadd.s32 $0xFFFFE003, lr  }
0x1b: {  	s9 =	sadd.s32 $0xFFFFFEF7, lr;
	s5 =	simm.s32 $0xFFFFFFFF;
	p2 =	slt.u32 s8, $0xFFFFF086  }
0x1c: {  	p1 =	slt.u32 s9, $0xF7A;
	s5 =	simm.s32 @!p2 $0x0  }
0x1d: {  	s5 =	simm.s32 @p1 $0x1;
	p0 =	seq.s32 s7, s2  }
0x1e: {  	s7 =	smul.u32 @!p0 $0xF7A, s2;
	p2 =	seq.s32 @!p0 s5, $0x0  }
0x1f: {  	s9 =	smul.u32 $0xF7A, s1;
	s8 =	simm.s32 @!p0 $0x1BF5;
	p2 =	por !p2, p0  }
0x20: {  	[sflag:s8] =	ssyncset.s32 @!p0 $0xFFFFF086;
	s6 =	sadd.s32 @!p0 s3, s7;
	s7 =	simm.s32 @!p0 $0x108  }
0x21: {  	s3 =	sadd.s32 s3, s9;
	s6 =	sadd.s32 @!p0 $0x88, s6;
	s7 =	simm.s32 @p2 $0x1082  }
0x22: {  	[simem:s7], [sflag:s8] =	dma.local @!p0 [hbm:s6], $0xF7A  }
0x23: {  	s9 =	sor.u32 $0xD0000000, s2;
	s6 =	simm.s32 $0x108;
	_ =	swait.ge @!p0 [sflag:s8], $0x0  }
0x24: {  	s3 =	sadd.s32 $0x88, s3;
	s6 =	simm.s32 @!p1 $0x1082;
	[sflag:s4] =	ssyncset.s32 $0xFFFFF086  }
0x25: {  	[simem:s6], [sflag:s4] =	dma.local [hbm:s3], $0xF7A  }
0x26: {  	[smem:$0x3F94] =	sst s1;
	(tag) =	ssettag s2;
	_ =	strace s9  }
0x27: {  	s1 =	sld [smem:$0x3FA4]  }
0x28: {  	s2 =	sld [smem:$0x3FA5]  }
0x29: {  	s4 =	sld [smem:$0x3FA7]  }
0x2a: {  	p0 =	seq.s32 s5, $0x0;
	s5 =	sld [smem:$0x3FA8]  }
0x2b: {  	s6 =	sld [smem:$0x3FA9]  }
0x2c: {  	s7 =	sld [smem:$0x3FAA]  }
0x2d: {  	s3 =	simm.s32 $0x108;
	s8 =	sld [smem:$0x3FAB]  }
0x2e: {  	s3 =	simm.s32 @!p0 $0x1082;
	s9 =	sld [smem:$0x3FAC]  }
0x2f: {  	lr =	sadd.s32 s0, s3;
	s0 =	sld [smem:$0x3FA3]  }
0x30: {  	s3 =	sld [smem:$0x3FA6]  }
0x31: {  	[smem:$0x3FAF] =	sst s10  }
0x32: {  	s10 =	sld [smem:$0x3FAD];
	_ =	sdelay $0x3  }
0x33: {  	p0 =	seq.s32 s10, $0x1;
	s10 =	sld [smem:$0x3FAF];
	_ =	sdelay $0x3  }
0x34: {  	[smem:$0x3FAF] =	sst s10  }
0x35: {  	s10 =	sld [smem:$0x3FAE];
	_ =	sdelay $0x3  }
0x36: {  	p1 =	seq.s32 s10, $0x1;
	s10 =	sld [smem:$0x3FAF];
	_ =	sdelay $0x3  }
0x37: {  	[smem:$0x3FAF] =	sst s10  }
0x38: {  	s10 =	sld [smem:$0x3FB0]  }
0x39: {  	_ = 	snop;
	(pc) =	sbr.ind lr, $3  }
0x3a: {  	_ = 	snop  }
0x3b: {  	_ = 	snop  }
0x3c: {  	p2 =	seq.s32 s10, $0x1;
	s10 =	sld [smem:$0x3FAF]  }
0x3d: {  	_ =	shalt  }
0x3e: {  	_ =	shalt  }
0x3f: {  	_ =	shalt  }
0x40: {  	_ =	shalt  }
0x41: {  	_ =	shalt  }
0x42: {  	_ =	shalt  }
0x43: {  	_ =	shalt  }
0x44: {  	_ =	shalt  }
0x45: {  	_ =	shalt  }
0x46: {  	_ =	shalt  }
0x47: {  	_ =	shalt  }
0x48: {  	_ =	shalt  }
0x49: {  	_ =	shalt  }
0x4a: {  	_ =	shalt  }
0x4b: {  	_ =	shalt  }
0x4c: {  	_ =	shalt  }
0x4d: {  	_ =	shalt  }
0x4e: {  	_ =	shalt  }
0x4f: {  	_ =	shalt  }
0x50: {  	_ =	shalt  }
0x51: {  	_ =	shalt  }
0x52: {  	_ =	shalt  }
0x53: {  	_ =	shalt  }
0x54: {  	_ =	shalt  }
0x55: {  	_ =	shalt  }
0x56: {  	_ =	shalt  }
0x57: {  	_ =	shalt  }
0x58: {  	_ =	shalt  }
0x59: {  	_ =	shalt  }
0x5a: {  	_ =	shalt  }
0x5b: {  	_ =	shalt  }
0x5c: {  	_ =	shalt  }
0x5d: {  	_ =	shalt  }
0x5e: {  	_ =	shalt  }
0x5f: {  	_ =	shalt  }
0x60: {  	_ =	shalt  }
0x61: {  	_ =	shalt  }
0x62: {  	_ =	shalt  }
0x63: {  	_ =	shalt  }
0x64: {  	_ =	shalt  }
0x65: {  	_ =	shalt  }
0x66: {  	_ =	shalt  }
0x67: {  	_ =	shalt  }
0x68: {  	_ =	shalt  }
0x69: {  	_ =	shalt  }
0x6a: {  	_ =	shalt  }
0x6b: {  	_ =	shalt  }
0x6c: {  	_ =	shalt  }
0x6d: {  	_ =	shalt  }
0x6e: {  	_ =	shalt  }
0x6f: {  	_ =	shalt  }
0x70: {  	_ =	shalt  }
0x71: {  	_ =	shalt  }
0x72: {  	_ =	shalt  }
0x73: {  	_ =	shalt  }
0x74: {  	_ =	shalt  }
0x75: {  	_ =	shalt  }
0x76: {  	_ =	shalt  }
0x77: {  	_ =	shalt  }
0x78: {  	_ =	shalt  }
0x79: {  	_ =	shalt  }
0x7a: {  	_ =	shalt  }
0x7b: {  	_ =	shalt  }
0x7c: {  	_ =	shalt  }
0x7d: {  	_ =	shalt  }
0x7e: {  	_ =	shalt  }
0x7f: {  	_ =	shalt  }
0x80: {  	_ =	shalt  }
0x81: {  	_ =	shalt  }
0x82: {  	_ =	shalt  }
0x83: {  	_ =	shalt  }
0x84: {  	_ =	shalt  }
0x85: {  	_ =	shalt  }
0x86: {  	_ =	shalt  }
0x87: {  	_ =	shalt  }
.Lfunc_end0:
.L_simem_size_0:
called_computation.2_lowered:
.L_overlay_start_0:
0x88: {  	s2 =	sld [smem:$0x3FD9]  }
0x89: {  	s3 =	sld [smem:$0x3FFE];
	_ =	sdelay $0x1  }
0x8a: {  	s1 =	srdreg.scid  }
0x8b: {  	s0 =	sand.u32 $0x1, s1  }
0x8c: {  	s17 =	sshll.u32 s0, $0xA;
	s2 =	sadd.s32 s3, s2  }
0x8d: {  	s2 =	sadd.s32 s2, s17  }
0x8e: {  	[smem:$0x3FBB] =	sst s2  }
0x8f: {  	_ = 	snop  }
0x90: {  	s2 =	sld [smem:$0x3FD0];
	(tm) =	ssettm $0x1  }
0x91: {  	s18 =	sld [smem:$0x3FFB];
	_ =	sdelay $0x3  }
0x92: {  	_ =	strace s18  }
0x93: {  	s3 =	sld [smem:$0x3FFC];
	_ =	sdelay $0x3  }
0x94: {  	_ =	strace s3  }
0x95: {  	s3 =	sld [smem:$0x3FFD];
	_ =	sdelay $0x3  }
0x96: {  	_ =	strace s3  }
0x97: {  	_ =	strace $0x8FFFFFFF  }
0x98: {  	s19 =	sld [smem:$0x3FDB];
	_ =	sdelay $0x1  }
0x99: {  	s4 =	simm.s32 $_scs_section_size  }
0x9a: {  	s5 =	simm.s32 $_size__tile_overlayer_lowered;
	s6 =	simm.s32 $_tile_overlayer_lowered  }
0x9b: {  	s22 =	simm.s32 $0x1BFF;
	s21 =	sshll.u32 s6, $0x1;
	s3 =	sadd.s32 s4, s19  }
0x9c: {  	s7 =	simm.s32 $0x0;
	s20 =	sshll.u32 s5, $0x1;
	s5 =	sadd.s32 s21, s3  }
0x9d: {  	[timem:s7], [sflag:s22] =	dma.local [hbm:s5], s20  }
0x9e: {  	_ =	swait.ge [sflag:s22], s20  }
0x9f: {  	s4 =	ssub.s32 $0x0, s20;
	[sflag:s22] =	ssyncset.done $0x0  }
0xa0: {  	[sflag:s22] =	ssyncadd.s32 s4;
	_ =	sdelay $0x1  }
0xa1: {  	s23 =	simm.s32 $0x1B8B  }
0xa2: {  	_ =	swait.ge [sflag:s23], $0x1  }
0xa3: {  	[sflag:s23] =	ssyncset.done $0x0  }
0xa4: {  	s25 =	simm.s32 $0x1B8E;
	s24 =	sld [smem:$0x3FFE];
	[sflag:s23] =	ssyncadd.s32 $0xFFFFFFFF  }
0xa5: {  	s26 =	simm.s32 $execute0_lowered;
	[smem:$0x3FD2] =	sst s25  }
0xa6: {  	s5 =	sshll.u32 s26, $0x1;
	_ =	strace $0x80000046;
	[dreg:$0x1] =	wrdreg $0xFFFFFFFF  }
0xa7: {  	s28 =	simm.s32 $_size_execute0_lowered;
	s3 =	sadd.s32 s3, s5;
	[dreg:$0x0] =	wrdreg $0x0  }
0xa8: {  	s5 =	sshll.u32 s28, $0x1;
	[dreg:$0x2] =	wrdreg s3  }
0xa9: {  	[dreg:$0x3] =	wrdreg s5  }
0xaa: {  	[dreg:$0x4] =	wrdreg $0xC0  }
0xab: {  	_ =	task [dreg:s7], $0x5FFFF  }
0xac: {  	[dreg:$0x1] =	wrdreg $0xFFFFFFFF  }
0xad: {  	[dreg:$0x0] =	wrdreg $0x60  }
0xae: {  	[dreg:$0x2] =	wrdreg s2  }
0xaf: {  	[dreg:$0x3] =	wrdreg s24  }
0xb0: {  	[dreg:$0x4] =	wrdreg $0x9  }
0xb1: {  	_ =	task.clear_ibuf [dreg:s7], $0x5FFFF;
	_ =	strace $0x90000046  }
0xb2: {  	s29 =	simm.s32 $0x9;
	_ =	strace $0x80000048  }
0xb3: {  	_ =	swait.ge [sflag:s29], $0x1  }
0xb4: {  	[sflag:s29] =	ssyncadd.s32 $0xFFFFFFFF  }
0xb5: {  	_ =	strace $0x90000048  }
0xb6: {  	_ =	sfence  }
0xb7: {  	s30 =	sld [smem:$0x0];
	_ =	sdelay $0x2  }
0xb8: {  	s31 =	sshll.u32 s1, $0xD;
	s1 =	sshrl.u32 s1, $0x2  }
0xb9: {  	s3 =	sand.u32 $0x4000, s31;
	s1 =	sadd.s32 s1, s30  }
0xba: {  	s0 =	sor.u32 s3, s0;
	s1 =	sshll.u32 s1, $0x11  }
0xbb: {  	s0 =	sor.u32 s1, s0  }
0xbc: {  	s0 =	sadd.s32 $0x8F2B, s0  }
0xbd: {  	[sflag:s0] =	ssyncadd.remote.s32 $0x1  }
0xbe: {  	_ =	sfence.sel $0xFFFF  }
0xbf: {  	[dreg:$0x0] =	wrdreg $0xFFFFFFFF;
	(pc) =	sbr.abs _section_cstart, $3  }
0xc0: {  	[dreg:$0x1] =	wrdreg $0xFFFFFFFF  }
0xc1: {  	_ =	task.clear_ibuf [dreg:s7], $0x2FFFF;
	_ =	strace $0x9FFFFFFF  }
0xc2: {  	(tm) =	ssettm $0x7FFFFFFF  }
0xc3: {  	_ =	shalt  }
tec
execute0_lowered:
.L_overlay_start_1:
0x0: {  	(tag) =	ssettag $0x1  }
0x1: {  	s2 =	rddreg [dreg:$0x0]  }
0x2: {  	s4 =	rddreg [dreg:$0x1]  }
0x3: {  	s0 =	rddreg [dreg:$0x2];
	s5 =	srdreg.scid  }
0x4: {  	s1 =	stileid.u32;
	s3 =	simm.s32 $0x0;
	s10 =	simm.s32 $0x1080  }
0x5: {  	s11 =	simm.s32 $0x1880;
	s12 =	simm.s32 $0x2080;
	s13 =	simm.s32 $0x2880  }
0x6: {  	s14 =	simm.s32 $0x3080;
	s15 =	simm.s32 $0x3880;
	s16 =	simm.s32 $0x4080  }
0x7: {  	s17 =	simm.s32 $0x4880;
	s18 =	simm.s32 $0x5080;
	s19 =	simm.s32 $0x5880  }
0x8: {  	s20 =	simm.s32 $0x6080;
	s21 =	simm.s32 $0x6880;
	s22 =	simm.s32 $0x7080  }
0x9: {  	s23 =	simm.s32 $0x7880;
	s24 =	simm.s32 $0x1;
	s6 =	smul.u32 $0x1400, s1  }
0xa: {  	s25 =	simm.s32 $0x0;
	s5 =	sand.u32 $0x1, s5;
	s8 =	smul.u32 $0x28000, s1  }
0xb: {  	[smem:$0x7FF] =	sst s3;
	s7 =	smul.u32 $0xA00, s5;
	s9 =	ssub.s32 $0x2, s5  }
0xc: {  	_ =	strace $0x80000047;
	s5 =	smul.u32 $0x14000, s5;
	s31 =	sshrl.u32 s9, $0x1  }
0xd: {  	s8 =	sadd.s32 s8, s4;
	s6 =	sadd.s32 s7, s6;
	s7 =	ssub.s32 s9, s31  }
0xe: {  	v2 =	vlaneseq.u32;
	s5 =	sadd.s32 s5, s8;
	s8 =	simm.s32 $0x80;
	s6 =	sshrl.u32 s6, $0x3  }
0xf: {  	vm0 =	vmmov $0xffff;
	v1 =	vshrl.u32 v2, $0x3;
	s9 =	simm.s32 $0x880;
	s5 =	sadd.s32 $0x7200, s5;
	s6 =	sadd.s32 s6, s4  }
0x10: {  	v0 =	vand.u32 $0x7, v2;
	v2 =	vor.u32 $0x8, v2;
	v1 =	vmul.u32 $0x8, v1;
	s4 =	smax.u32 s7, $0x1;
	s7 =	simm.s32 $0x2;
	s6 =	sadd.s32 $0x4A00, s6  }
.LBB2_1:
0x11: {  	s26 =	smov.u32 s5;
	s28 =	simm.s32 $0x0  }
.LBB2_2:
0x12: {  	s29 =	sadd.s32 s28, s6  }
0x13: {  	[tilespmem:s3], [sflag:$0x2] =	stream.linear.gather [hbm4b:s29+s3], $0x80, $0x38;
	[tilespmem:$0x8080] =	vst v63  }
0x14: {  	_ =	swait.ge [sflag:s7], $0x80  }
0x15: {  	[sflag:s7] =	ssyncset.done $0x0  }
0x16: {  	[sflag:s7] =	ssyncadd.s32 $0xFFFFFF80  }
0x17: {  	v3 =	vld [tilespmem:$0x0];
	_ =	sdelay $0x4  }
0x18: {  	v4 =	vshll.u32 v3, $0x1  }
0x19: {  	v3 =	vand.u32 $0x7, v3;
	v4 =	vand.u32 $0xFFFFFFF0, v4  }
0x1a: {  	v3 =	vor.u32 v3, v4  }
0x1b: {  	v4 =	vperm.xlane v3, v0;
	_ =	sdelay $0x1  }
0x1c: {  	v3 =	vperm.xlane v3, v2;
	v4 =	vadd.s32 v1, v4;
	_ =	sdelay $0x1  }
0x1d: {  	v3 =	vadd.s32 v1, v3;
	_ =	sdelay $0x2  }
0x1e: {  	[tilespmem:s8], [sflag:$0x1] =	stream.indirect_vreg.gather [hbm4b:s2+s3], $0x80, v4, vm0, $0xb8;
	[tilespmem:$0x8080] =	vst v63  }
0x1f: {  	_ = 	snop  }
0x20: {  	[tilespmem:s9], [sflag:$0x1] =	stream.indirect_vreg.gather [hbm4b:s2+s3], $0x80, v3, vm0, $0xb8;
	[tilespmem:$0x8080] =	vst v63  }
0x21: {  	v3 =	vld [tilespmem:$0x10];
	_ =	sdelay $0x4  }
0x22: {  	v57 =	vshll.u32 v3, $0x1  }
0x23: {  	v3 =	vand.u32 $0x7, v3;
	v4 =	vand.u32 $0xFFFFFFF0, v57  }
0x24: {  	v3 =	vor.u32 v3, v4  }
0x25: {  	v4 =	vperm.xlane v3, v0;
	_ =	sdelay $0x1  }
0x26: {  	v3 =	vperm.xlane v3, v2;
	v4 =	vadd.s32 v1, v4;
	_ =	sdelay $0x1  }
0x27: {  	v3 =	vadd.s32 v1, v3;
	_ =	sdelay $0x2  }
0x28: {  	[tilespmem:s10], [sflag:$0x1] =	stream.indirect_vreg.gather [hbm4b:s2+s3], $0x80, v4, vm0, $0xb8;
	[tilespmem:$0x8080] =	vst v63  }
0x29: {  	_ = 	snop  }
0x2a: {  	[tilespmem:s11], [sflag:$0x1] =	stream.indirect_vreg.gather [hbm4b:s2+s3], $0x80, v3, vm0, $0xb8;
	[tilespmem:$0x8080] =	vst v63  }
0x2b: {  	v3 =	vld [tilespmem:$0x20];
	_ =	sdelay $0x4  }
0x2c: {  	v58 =	vshll.u32 v3, $0x1  }
0x2d: {  	v3 =	vand.u32 $0x7, v3;
	v4 =	vand.u32 $0xFFFFFFF0, v58  }
0x2e: {  	v3 =	vor.u32 v3, v4  }
0x2f: {  	v4 =	vperm.xlane v3, v0;
	_ =	sdelay $0x1  }
0x30: {  	v3 =	vperm.xlane v3, v2;
	v4 =	vadd.s32 v1, v4;
	_ =	sdelay $0x1  }
0x31: {  	v3 =	vadd.s32 v1, v3;
	_ =	sdelay $0x2  }
0x32: {  	[tilespmem:s12], [sflag:$0x1] =	stream.indirect_vreg.gather [hbm4b:s2+s3], $0x80, v4, vm0, $0xb8;
	[tilespmem:$0x8080] =	vst v63  }
0x33: {  	_ = 	snop  }
0x34: {  	[tilespmem:s13], [sflag:$0x1] =	stream.indirect_vreg.gather [hbm4b:s2+s3], $0x80, v3, vm0, $0xb8;
	[tilespmem:$0x8080] =	vst v63  }
0x35: {  	v3 =	vld [tilespmem:$0x30];
	_ =	sdelay $0x4  }
0x36: {  	v59 =	vshll.u32 v3, $0x1  }
0x37: {  	v3 =	vand.u32 $0x7, v3;
	v4 =	vand.u32 $0xFFFFFFF0, v59  }
0x38: {  	v3 =	vor.u32 v3, v4  }
0x39: {  	v4 =	vperm.xlane v3, v0;
	_ =	sdelay $0x1  }
0x3a: {  	v3 =	vperm.xlane v3, v2;
	v4 =	vadd.s32 v1, v4;
	_ =	sdelay $0x1  }
0x3b: {  	v3 =	vadd.s32 v1, v3;
	_ =	sdelay $0x2  }
0x3c: {  	[tilespmem:s14], [sflag:$0x1] =	stream.indirect_vreg.gather [hbm4b:s2+s3], $0x80, v4, vm0, $0xb8;
	[tilespmem:$0x8080] =	vst v63  }
0x3d: {  	_ = 	snop  }
0x3e: {  	[tilespmem:s15], [sflag:$0x1] =	stream.indirect_vreg.gather [hbm4b:s2+s3], $0x80, v3, vm0, $0xb8;
	[tilespmem:$0x8080] =	vst v63  }
0x3f: {  	v3 =	vld [tilespmem:$0x40];
	_ =	sdelay $0x4  }
0x40: {  	v60 =	vshll.u32 v3, $0x1  }
0x41: {  	v3 =	vand.u32 $0x7, v3;
	v4 =	vand.u32 $0xFFFFFFF0, v60  }
0x42: {  	v3 =	vor.u32 v3, v4  }
0x43: {  	v4 =	vperm.xlane v3, v0;
	_ =	sdelay $0x1  }
0x44: {  	v3 =	vperm.xlane v3, v2;
	v4 =	vadd.s32 v1, v4;
	_ =	sdelay $0x1  }
0x45: {  	v3 =	vadd.s32 v1, v3;
	_ =	sdelay $0x2  }
0x46: {  	[tilespmem:s16], [sflag:$0x1] =	stream.indirect_vreg.gather [hbm4b:s2+s3], $0x80, v4, vm0, $0xb8;
	[tilespmem:$0x8080] =	vst v63  }
0x47: {  	_ = 	snop  }
0x48: {  	[tilespmem:s17], [sflag:$0x1] =	stream.indirect_vreg.gather [hbm4b:s2+s3], $0x80, v3, vm0, $0xb8;
	[tilespmem:$0x8080] =	vst v63  }
0x49: {  	v3 =	vld [tilespmem:$0x50];
	_ =	sdelay $0x4  }
0x4a: {  	v61 =	vshll.u32 v3, $0x1  }
0x4b: {  	v3 =	vand.u32 $0x7, v3;
	v4 =	vand.u32 $0xFFFFFFF0, v61  }
0x4c: {  	v3 =	vor.u32 v3, v4  }
0x4d: {  	v4 =	vperm.xlane v3, v0;
	_ =	sdelay $0x1  }
0x4e: {  	v3 =	vperm.xlane v3, v2;
	v4 =	vadd.s32 v1, v4;
	_ =	sdelay $0x1  }
0x4f: {  	v3 =	vadd.s32 v1, v3;
	_ =	sdelay $0x2  }
0x50: {  	[tilespmem:s18], [sflag:$0x1] =	stream.indirect_vreg.gather [hbm4b:s2+s3], $0x80, v4, vm0, $0xb8;
	[tilespmem:$0x8080] =	vst v63  }
0x51: {  	_ = 	snop  }
0x52: {  	[tilespmem:s19], [sflag:$0x1] =	stream.indirect_vreg.gather [hbm4b:s2+s3], $0x80, v3, vm0, $0xb8;
	[tilespmem:$0x8080] =	vst v63  }
0x53: {  	v3 =	vld [tilespmem:$0x60];
	_ =	sdelay $0x4  }
0x54: {  	v62 =	vshll.u32 v3, $0x1  }
0x55: {  	v3 =	vand.u32 $0x7, v3;
	v4 =	vand.u32 $0xFFFFFFF0, v62  }
0x56: {  	v3 =	vor.u32 v3, v4  }
0x57: {  	v4 =	vperm.xlane v3, v0;
	_ =	sdelay $0x1  }
0x58: {  	v3 =	vperm.xlane v3, v2;
	v4 =	vadd.s32 v1, v4;
	_ =	sdelay $0x1  }
0x59: {  	v3 =	vadd.s32 v1, v3;
	_ =	sdelay $0x2  }
0x5a: {  	[tilespmem:s20], [sflag:$0x1] =	stream.indirect_vreg.gather [hbm4b:s2+s3], $0x80, v4, vm0, $0xb8;
	[tilespmem:$0x8080] =	vst v63  }
0x5b: {  	_ = 	snop  }
0x5c: {  	[tilespmem:s21], [sflag:$0x1] =	stream.indirect_vreg.gather [hbm4b:s2+s3], $0x80, v3, vm0, $0xb8;
	[tilespmem:$0x8080] =	vst v63  }
0x5d: {  	v3 =	vld [tilespmem:$0x70];
	_ =	sdelay $0x4  }
0x5e: {  	v63 =	vshll.u32 v3, $0x1  }
0x5f: {  	v3 =	vand.u32 $0x7, v3;
	v4 =	vand.u32 $0xFFFFFFF0, v63  }
0x60: {  	v3 =	vor.u32 v3, v4  }
0x61: {  	v4 =	vperm.xlane v3, v0;
	_ =	sdelay $0x1  }
0x62: {  	v3 =	vperm.xlane v3, v2;
	v4 =	vadd.s32 v1, v4;
	_ =	sdelay $0x1  }
0x63: {  	v3 =	vadd.s32 v1, v3;
	_ =	sdelay $0x2  }
0x64: {  	[tilespmem:s22], [sflag:$0x1] =	stream.indirect_vreg.gather [hbm4b:s2+s3], $0x80, v4, vm0, $0xb8;
	[tilespmem:$0x8080] =	vst v63  }
0x65: {  	_ = 	snop  }
0x66: {  	[tilespmem:s23], [sflag:$0x1] =	stream.indirect_vreg.gather [hbm4b:s2+s3], $0x80, v3, vm0, $0xb8;
	[tilespmem:$0x8080] =	vst v63  }
0x67: {  	_ =	swait.ge [sflag:s24], $0x8000  }
0x68: {  	p0 =	sne.s32 s28, $0x130;
	[sflag:s24] =	ssyncset.done $0x0  }
.Ltmp0:
0x69: {  	[sflag:s24] =	ssyncadd.s32 $0xFFFF8000;
	(pc) =	sbr.rel @p0 .LBB2_2-.Ltmp0, $4  }
0x6a: {  	[hbm4b:s26+s3] =	stream.linear.scatter [tilespmem:s8], [sflag:$0x2], $0x8000, $0x38;
	[tilespmem:$0x8080] =	vst v63  }
0x6b: {  	_ =	swait.ge [sflag:s7], $0x8000  }
0x6c: {  	[sflag:s7] =	ssyncset.done $0x0  }
0x6d: {  	s28 =	sadd.s32 $0x10, s28;
	s26 =	sadd.s32 $0x1000, s26;
	[sflag:s7] =	ssyncadd.s32 $0xFFFF8000  }
0x6e: {  	s25 =	sadd.s32 $0x1, s25  }
0x6f: {  	p0 =	sne.s32 s25, s4  }
.Ltmp1:
0x70: {  	_ = 	snop;
	(pc) =	sbr.rel @p0 .LBB2_1-.Ltmp1, $1  }
0x71: {  	_ =	sdelay $0x3  }
0x72: {  	_ =	sfence.sel $0x180000  }
0x73: {  	[bflag:$0x0] =	sbarrier.arrive $0xFFFF  }
0x74: {  	p0 =	sne.s32 s1, $0x0;
	_ =	strace $0x90000047  }
0x75: {  	s0 =	sadd.s32 @!p0 $0x100000, s0;
	[bflag:$0x2] =	sbarrier.arrive $0xFFFF  }
0x76: {  	[sflag:s0] =	ssyncadd.tile.s32 @!p0 $0x1;
	_ =	shalt  }
.Lfunc_end2:
_tile_overlayer_lowered:
.L_overlay_start_2:
0x77: {  	(tag) =	ssettag $0x2  }
0x78: {  	s0 =	rddreg [dreg:$0x0];
	s2 =	stileid.u32  }
0x79: {  	s1 =	rddreg [dreg:$0x1];
	p0 =	sne.s32 s2, $0x0  }
0x7a: {  	s3 =	rddreg [dreg:$0x2];
	[bflag:$0x3] =	sbarrier.arrive $0xFFFF;
	s2 =	simm.s32 @!p0 $0x1C02  }
0x7b: {  	[timem:s3], [sflag:s2] =	dma.local @!p0 [hbm:s0], s1  }
0x7c: {  	s0 =	simm.s32 @!p0 $0x2  }
0x7d: {  	_ =	swait.ge @!p0 [sflag:s0], s1  }
0x7e: {  	s1 =	ssub.s32 @!p0 $0x0, s1;
	[sflag:s0] =	ssyncset.done @!p0 $0x0  }
0x7f: {  	[sflag:s0] =	ssyncadd.s32 @!p0 s1  }
0x80: {  	[bflag:$0x3] =	sbarrier.arrive $0xFFFF  }
0x81: {  	_ =	shalt  }

// kernel: kernel.13.cloned.1.call-start
scs
__scs_entry_jumppad:
0x0: {  	(pc) =	sbr.rel $0x88, $3  }
0x1: {  	(tag) =	ssettag $0x0;
	lr =	simm.s32 $0x1  }
0x2: {  	[smem:$0x3F94] =	sst lr;
	_ =	strace $0xD0000000  }
0x3: {  	_ = 	snop  }
0x4: {  	_ = 	snop  }
0x5: {  	_ = 	snop  }
0x6: {  	_ = 	snop  }
0x7: {  	_ = 	snop  }
__scs_overlays_trampoline_lowered:
0x8: {  	[smem:$0x3FA3] =	sst s0  }
0x9: {  	[smem:$0x3FA4] =	sst s1  }
0xa: {  	[smem:$0x3FA5] =	sst s2  }
0xb: {  	[smem:$0x3FA6] =	sst s3  }
0xc: {  	[smem:$0x3FA7] =	sst s4  }
0xd: {  	[smem:$0x3FA8] =	sst s5  }
0xe: {  	[smem:$0x3FA9] =	sst s6  }
0xf: {  	[smem:$0x3FAA] =	sst s7  }
0x10: {  	[smem:$0x3FAB] =	sst s8  }
0x11: {  	[smem:$0x3FAC] =	sst s9;
	s0 =	simm.s32 @!p0 $0x0  }
0x12: {  	s1 =	sld [smem:$0x3F92];
	s0 =	simm.s32 @p0 $0x1  }
0x13: {  	[smem:$0x3FAD] =	sst s0;
	s0 =	simm.s32 @!p1 $0x0  }
0x14: {  	s2 =	sld [smem:$0x3F91];
	s0 =	simm.s32 @p1 $0x1  }
0x15: {  	[smem:$0x3FAE] =	sst s0;
	s0 =	simm.s32 @!p2 $0x0  }
0x16: {  	s3 =	sld [smem:$0x3FDB];
	s0 =	simm.s32 @p2 $0x1  }
0x17: {  	s4 =	simm.s32 $0x1BF5;
	[smem:$0x3FB0] =	sst s0  }
0x18: {  	s0 =	sld [smem:$0x3F93];
	_ =	swait.ge [sflag:s4], $0x0  }
0x19: {  	s7 =	sld [smem:$0x3F94]  }
0x1a: {  	s8 =	sadd.s32 $0xFFFFE003, lr  }
0x1b: {  	s9 =	sadd.s32 $0xFFFFFEF7, lr;
	s5 =	simm.s32 $0xFFFFFFFF;
	p2 =	slt.u32 s8, $0xFFFFF086  }
0x1c: {  	p1 =	slt.u32 s9, $0xF7A;
	s5 =	simm.s32 @!p2 $0x0  }
0x1d: {  	s5 =	simm.s32 @p1 $0x1;
	p0 =	seq.s32 s7, s2  }
0x1e: {  	s7 =	smul.u32 @!p0 $0xF7A, s2;
	p2 =	seq.s32 @!p0 s5, $0x0  }
0x1f: {  	s9 =	smul.u32 $0xF7A, s1;
	s8 =	simm.s32 @!p0 $0x1BF5;
	p2 =	por !p2, p0  }
0x20: {  	[sflag:s8] =	ssyncset.s32 @!p0 $0xFFFFF086;
	s6 =	sadd.s32 @!p0 s3, s7;
	s7 =	simm.s32 @!p0 $0x108  }
0x21: {  	s3 =	sadd.s32 s3, s9;
	s6 =	sadd.s32 @!p0 $0x88, s6;
	s7 =	simm.s32 @p2 $0x1082  }
0x22: {  	[simem:s7], [sflag:s8] =	dma.local @!p0 [hbm:s6], $0xF7A  }
0x23: {  	s9 =	sor.u32 $0xD0000000, s2;
	s6 =	simm.s32 $0x108;
	_ =	swait.ge @!p0 [sflag:s8], $0x0  }
0x24: {  	s3 =	sadd.s32 $0x88, s3;
	s6 =	simm.s32 @!p1 $0x1082;
	[sflag:s4] =	ssyncset.s32 $0xFFFFF086  }
0x25: {  	[simem:s6], [sflag:s4] =	dma.local [hbm:s3], $0xF7A  }
0x26: {  	[smem:$0x3F94] =	sst s1;
	(tag) =	ssettag s2;
	_ =	strace s9  }
0x27: {  	s1 =	sld [smem:$0x3FA4]  }
0x28: {  	s2 =	sld [smem:$0x3FA5]  }
0x29: {  	s4 =	sld [smem:$0x3FA7]  }
0x2a: {  	p0 =	seq.s32 s5, $0x0;
	s5 =	sld [smem:$0x3FA8]  }
0x2b: {  	s6 =	sld [smem:$0x3FA9]  }
0x2c: {  	s7 =	sld [smem:$0x3FAA]  }
0x2d: {  	s3 =	simm.s32 $0x108;
	s8 =	sld [smem:$0x3FAB]  }
0x2e: {  	s3 =	simm.s32 @!p0 $0x1082;
	s9 =	sld [smem:$0x3FAC]  }
0x2f: {  	lr =	sadd.s32 s0, s3;
	s0 =	sld [smem:$0x3FA3]  }
0x30: {  	s3 =	sld [smem:$0x3FA6]  }
0x31: {  	[smem:$0x3FAF] =	sst s10  }
0x32: {  	s10 =	sld [smem:$0x3FAD];
	_ =	sdelay $0x3  }
0x33: {  	p0 =	seq.s32 s10, $0x1;
	s10 =	sld [smem:$0x3FAF];
	_ =	sdelay $0x3  }
0x34: {  	[smem:$0x3FAF] =	sst s10  }
0x35: {  	s10 =	sld [smem:$0x3FAE];
	_ =	sdelay $0x3  }
0x36: {  	p1 =	seq.s32 s10, $0x1;
	s10 =	sld [smem:$0x3FAF];
	_ =	sdelay $0x3  }
0x37: {  	[smem:$0x3FAF] =	sst s10  }
0x38: {  	s10 =	sld [smem:$0x3FB0]  }
0x39: {  	_ = 	snop;
	(pc) =	sbr.ind lr, $3  }
0x3a: {  	_ = 	snop  }
0x3b: {  	_ = 	snop  }
0x3c: {  	p2 =	seq.s32 s10, $0x1;
	s10 =	sld [smem:$0x3FAF]  }
0x3d: {  	_ =	shalt  }
0x3e: {  	_ =	shalt  }
0x3f: {  	_ =	shalt  }
0x40: {  	_ =	shalt  }
0x41: {  	_ =	shalt  }
0x42: {  	_ =	shalt  }
0x43: {  	_ =	shalt  }
0x44: {  	_ =	shalt  }
0x45: {  	_ =	shalt  }
0x46: {  	_ =	shalt  }
0x47: {  	_ =	shalt  }
0x48: {  	_ =	shalt  }
0x49: {  	_ =	shalt  }
0x4a: {  	_ =	shalt  }
0x4b: {  	_ =	shalt  }
0x4c: {  	_ =	shalt  }
0x4d: {  	_ =	shalt  }
0x4e: {  	_ =	shalt  }
0x4f: {  	_ =	shalt  }
0x50: {  	_ =	shalt  }
0x51: {  	_ =	shalt  }
0x52: {  	_ =	shalt  }
0x53: {  	_ =	shalt  }
0x54: {  	_ =	shalt  }
0x55: {  	_ =	shalt  }
0x56: {  	_ =	shalt  }
0x57: {  	_ =	shalt  }
0x58: {  	_ =	shalt  }
0x59: {  	_ =	shalt  }
0x5a: {  	_ =	shalt  }
0x5b: {  	_ =	shalt  }
0x5c: {  	_ =	shalt  }
0x5d: {  	_ =	shalt  }
0x5e: {  	_ =	shalt  }
0x5f: {  	_ =	shalt  }
0x60: {  	_ =	shalt  }
0x61: {  	_ =	shalt  }
0x62: {  	_ =	shalt  }
0x63: {  	_ =	shalt  }
0x64: {  	_ =	shalt  }
0x65: {  	_ =	shalt  }
0x66: {  	_ =	shalt  }
0x67: {  	_ =	shalt  }
0x68: {  	_ =	shalt  }
0x69: {  	_ =	shalt  }
0x6a: {  	_ =	shalt  }
0x6b: {  	_ =	shalt  }
0x6c: {  	_ =	shalt  }
0x6d: {  	_ =	shalt  }
0x6e: {  	_ =	shalt  }
0x6f: {  	_ =	shalt  }
0x70: {  	_ =	shalt  }
0x71: {  	_ =	shalt  }
0x72: {  	_ =	shalt  }
0x73: {  	_ =	shalt  }
0x74: {  	_ =	shalt  }
0x75: {  	_ =	shalt  }
0x76: {  	_ =	shalt  }
0x77: {  	_ =	shalt  }
0x78: {  	_ =	shalt  }
0x79: {  	_ =	shalt  }
0x7a: {  	_ =	shalt  }
0x7b: {  	_ =	shalt  }
0x7c: {  	_ =	shalt  }
0x7d: {  	_ =	shalt  }
0x7e: {  	_ =	shalt  }
0x7f: {  	_ =	shalt  }
0x80: {  	_ =	shalt  }
0x81: {  	_ =	shalt  }
0x82: {  	_ =	shalt  }
0x83: {  	_ =	shalt  }
0x84: {  	_ =	shalt  }
0x85: {  	_ =	shalt  }
0x86: {  	_ =	shalt  }
0x87: {  	_ =	shalt  }
.Lfunc_end0:
.L_simem_size_0:
called_computation.3_lowered:
.L_overlay_start_0:
0x88: {  	s2 =	sld [smem:$0x3FD9]  }
0x89: {  	s3 =	sld [smem:$0x3FFE];
	_ =	sdelay $0x1  }
0x8a: {  	s1 =	srdreg.scid  }
0x8b: {  	s0 =	sand.u32 $0x1, s1  }
0x8c: {  	s17 =	sshll.u32 s0, $0xA;
	s2 =	sadd.s32 s3, s2  }
0x8d: {  	s2 =	sadd.s32 s2, s17  }
0x8e: {  	[smem:$0x3FBB] =	sst s2  }
0x8f: {  	_ = 	snop  }
0x90: {  	s2 =	sld [smem:$0x3FD0];
	(tm) =	ssettm $0x1  }
0x91: {  	s18 =	sld [smem:$0x3FFB];
	_ =	sdelay $0x3  }
0x92: {  	_ =	strace s18  }
0x93: {  	s3 =	sld [smem:$0x3FFC];
	_ =	sdelay $0x3  }
0x94: {  	_ =	strace s3  }
0x95: {  	s3 =	sld [smem:$0x3FFD];
	_ =	sdelay $0x3  }
0x96: {  	_ =	strace s3  }
0x97: {  	_ =	strace $0x8FFFFFFF  }
0x98: {  	s19 =	sld [smem:$0x3FDB];
	_ =	sdelay $0x1  }
0x99: {  	s4 =	simm.s32 $_scs_section_size  }
0x9a: {  	s5 =	simm.s32 $_size__tile_overlayer_lowered;
	s6 =	simm.s32 $_tile_overlayer_lowered  }
0x9b: {  	s22 =	simm.s32 $0x1BFF;
	s21 =	sshll.u32 s6, $0x1;
	s3 =	sadd.s32 s4, s19  }
0x9c: {  	s7 =	simm.s32 $0x0;
	s20 =	sshll.u32 s5, $0x1;
	s5 =	sadd.s32 s21, s3  }
0x9d: {  	[timem:s7], [sflag:s22] =	dma.local [hbm:s5], s20  }
0x9e: {  	_ =	swait.ge [sflag:s22], s20  }
0x9f: {  	s4 =	ssub.s32 $0x0, s20;
	[sflag:s22] =	ssyncset.done $0x0  }
0xa0: {  	[sflag:s22] =	ssyncadd.s32 s4;
	_ =	sdelay $0x1  }
0xa1: {  	s23 =	simm.s32 $0x1B8B  }
0xa2: {  	_ =	swait.ge [sflag:s23], $0x1  }
0xa3: {  	[sflag:s23] =	ssyncset.done $0x0  }
0xa4: {  	s25 =	simm.s32 $0x1B8E;
	s24 =	sld [smem:$0x3FFE];
	[sflag:s23] =	ssyncadd.s32 $0xFFFFFFFF  }
0xa5: {  	s26 =	simm.s32 $execute0_lowered;
	[smem:$0x3FD2] =	sst s25  }
0xa6: {  	s5 =	sshll.u32 s26, $0x1;
	_ =	strace $0x8000004F;
	[dreg:$0x1] =	wrdreg $0xFFFFFFFF  }
0xa7: {  	s28 =	simm.s32 $_size_execute0_lowered;
	s3 =	sadd.s32 s3, s5;
	[dreg:$0x0] =	wrdreg $0x0  }
0xa8: {  	s5 =	sshll.u32 s28, $0x1;
	[dreg:$0x2] =	wrdreg s3  }
0xa9: {  	[dreg:$0x3] =	wrdreg s5  }
0xaa: {  	[dreg:$0x4] =	wrdreg $0xC0  }
0xab: {  	_ =	task [dreg:s7], $0x5FFFF  }
0xac: {  	[dreg:$0x1] =	wrdreg $0xFFFFFFFF  }
0xad: {  	[dreg:$0x0] =	wrdreg $0x60  }
0xae: {  	[dreg:$0x2] =	wrdreg s24  }
0xaf: {  	[dreg:$0x3] =	wrdreg s2  }
0xb0: {  	[dreg:$0x4] =	wrdreg $0x9  }
0xb1: {  	_ =	task.clear_ibuf [dreg:s7], $0x5FFFF;
	_ =	strace $0x9000004F  }
0xb2: {  	s29 =	simm.s32 $0x9;
	_ =	strace $0x80000051  }
0xb3: {  	_ =	swait.ge [sflag:s29], $0x1  }
0xb4: {  	[sflag:s29] =	ssyncadd.s32 $0xFFFFFFFF  }
0xb5: {  	_ =	strace $0x90000051  }
0xb6: {  	_ =	sfence  }
0xb7: {  	s30 =	sld [smem:$0x0];
	_ =	sdelay $0x2  }
0xb8: {  	s31 =	sshll.u32 s1, $0xD;
	s1 =	sshrl.u32 s1, $0x2  }
0xb9: {  	s3 =	sand.u32 $0x4000, s31;
	s1 =	sadd.s32 s1, s30  }
0xba: {  	s0 =	sor.u32 s3, s0;
	s1 =	sshll.u32 s1, $0x11  }
0xbb: {  	s0 =	sor.u32 s1, s0  }
0xbc: {  	s0 =	sadd.s32 $0x8F2B, s0  }
0xbd: {  	[sflag:s0] =	ssyncadd.remote.s32 $0x1  }
0xbe: {  	_ =	sfence.sel $0xFFFF  }
0xbf: {  	[dreg:$0x0] =	wrdreg $0xFFFFFFFF;
	(pc) =	sbr.abs _section_cstart, $3  }
0xc0: {  	[dreg:$0x1] =	wrdreg $0xFFFFFFFF  }
0xc1: {  	_ =	task.clear_ibuf [dreg:s7], $0x2FFFF;
	_ =	strace $0x9FFFFFFF  }
0xc2: {  	(tm) =	ssettm $0x7FFFFFFF  }
0xc3: {  	_ =	shalt  }
tec
execute0_lowered:
.L_overlay_start_1:
0x0: {  	(tag) =	ssettag $0x1  }
0x1: {  	s6 =	rddreg [dreg:$0x0]  }
0x2: {  	s9 =	rddreg [dreg:$0x1];
	s2 =	simm.s32 $0x0  }
0x3: {  	s1 =	stileid.u32;
	s3 =	srdreg.scid;
	s13 =	simm.s32 $0x1080  }
0x4: {  	s14 =	simm.s32 $0x1880;
	s15 =	simm.s32 $0x2080;
	s16 =	simm.s32 $0x2880  }
0x5: {  	s17 =	simm.s32 $0x3080;
	s18 =	simm.s32 $0x3880;
	s19 =	simm.s32 $0x4080  }
0x6: {  	s20 =	simm.s32 $0x4880;
	s21 =	simm.s32 $0x5080;
	s22 =	simm.s32 $0x5880  }
0x7: {  	s23 =	simm.s32 $0x6080;
	s24 =	simm.s32 $0x6880;
	s25 =	simm.s32 $0x7080  }
0x8: {  	s26 =	simm.s32 $0x7880;
	s28 =	simm.s32 $0x1;
	s4 =	smul.u32 $0xA0000, s1  }
0x9: {  	s29 =	simm.s32 $0x0;
	s5 =	sand.u32 $0x1, s3;
	s8 =	smul.u32 $0x1400, s1  }
0xa: {  	[smem:$0x7FF] =	sst s2;
	s3 =	sadd.s32 $0x4F8200, s6;
	s11 =	smul.u32 $0xA00, s5  }
0xb: {  	_ =	strace $0x80000050;
	s7 =	ssub.s32 $0x2, s5;
	s12 =	smul.u32 $0x50000, s5  }
0xc: {  	s5 =	sadd.s32 $0x4F8400, s6;
	s10 =	sadd.s32 s4, s6;
	s31 =	sshrl.u32 s7, $0x1  }
0xd: {  	s4 =	sadd.s32 $0x4F8300, s6;
	s6 =	sadd.s32 $0x4F8500, s6;
	s7 =	ssub.s32 s7, s31  }
0xe: {  	v2 =	vlaneseq.u32;
	s8 =	sadd.s32 s11, s8;
	s10 =	sadd.s32 s12, s10;
	s12 =	simm.s32 $0x880  }
0xf: {  	vm0 =	vmmov $0xffff;
	v1 =	vshrl.u32 v2, $0x3;
	s7 =	smax.u32 s7, $0x1;
	s11 =	sshrl.u32 s8, $0x3;
	s8 =	sadd.s32 $0x769200, s10  }
0x10: {  	v0 =	vand.u32 $0x7, v2;
	v2 =	vor.u32 $0x8, v2;
	v1 =	vmul.u32 $0x8, v1;
	s10 =	simm.s32 $0x2;
	s9 =	sadd.s32 s11, s9;
	s11 =	simm.s32 $0x80  }
.LBB2_1:
0x11: {  	s30 =	smov.u32 s8;
	s31 =	simm.s32 $0x0  }
.LBB2_2:
0x12: {  	s0 =	sadd.s32 s31, s9  }
0x13: {  	[tilespmem:s2], [sflag:$0x2] =	stream.linear.gather [hbm4b:s0+s2], $0x20, $0x38;
	[tilespmem:$0x8080] =	vst v63  }
0x14: {  	_ =	swait.ge [sflag:s10], $0x20  }
0x15: {  	[sflag:s10] =	ssyncset.done $0x0  }
0x16: {  	[sflag:s10] =	ssyncadd.s32 $0xFFFFFFE0  }
0x17: {  	v3 =	vld [tilespmem:$0x0];
	_ =	sdelay $0x4  }
0x18: {  	v4 =	vshll.u32 v3, $0x3  }
0x19: {  	v3 =	vand.u32 $0x7, v3;
	v4 =	vand.u32 $0xFFFFFFC0, v4  }
0x1a: {  	v3 =	vor.u32 v3, v4  }
0x1b: {  	v4 =	vperm.xlane v3, v0;
	_ =	sdelay $0x1  }
0x1c: {  	v4 =	vadd.s32 v1, v4;
	_ =	sdelay $0x4  }
0x1d: {  	[tilespmem:s11], [sflag:$0x1] =	stream.indirect_vreg.gather [hbm4b:s3+s2], $0x80, v4, vm0, $0xb8;
	[tilespmem:$0x8080] =	vst v63  }
0x1e: {  	v3 =	vperm.xlane v3, v2  }
0x1f: {  	[tilespmem:s12], [sflag:$0x1] =	stream.indirect_vreg.gather [hbm4b:s4+s2], $0x80, v4, vm0, $0xb8;
	[tilespmem:$0x8080] =	vst v63  }
0x20: {  	v3 =	vadd.s32 v1, v3  }
0x21: {  	[tilespmem:s13], [sflag:$0x1] =	stream.indirect_vreg.gather [hbm4b:s5+s2], $0x80, v4, vm0, $0xb8;
	[tilespmem:$0x8080] =	vst v63  }
0x22: {  	_ = 	snop  }
0x23: {  	[tilespmem:s14], [sflag:$0x1] =	stream.indirect_vreg.gather [hbm4b:s6+s2], $0x80, v4, vm0, $0xb8;
	[tilespmem:$0x8080] =	vst v63  }
0x24: {  	_ = 	snop  }
0x25: {  	[tilespmem:s15], [sflag:$0x1] =	stream.indirect_vreg.gather [hbm4b:s3+s2], $0x80, v3, vm0, $0xb8;
	[tilespmem:$0x8080] =	vst v63  }
0x26: {  	_ = 	snop  }
0x27: {  	[tilespmem:s16], [sflag:$0x1] =	stream.indirect_vreg.gather [hbm4b:s4+s2], $0x80, v3, vm0, $0xb8;
	[tilespmem:$0x8080] =	vst v63  }
0x28: {  	_ = 	snop  }
0x29: {  	[tilespmem:s17], [sflag:$0x1] =	stream.indirect_vreg.gather [hbm4b:s5+s2], $0x80, v3, vm0, $0xb8;
	[tilespmem:$0x8080] =	vst v63  }
0x2a: {  	_ = 	snop  }
0x2b: {  	[tilespmem:s18], [sflag:$0x1] =	stream.indirect_vreg.gather [hbm4b:s6+s2], $0x80, v3, vm0, $0xb8;
	[tilespmem:$0x8080] =	vst v63  }
0x2c: {  	v3 =	vld [tilespmem:$0x10];
	_ =	sdelay $0x4  }
0x2d: {  	v63 =	vshll.u32 v3, $0x3  }
0x2e: {  	v3 =	vand.u32 $0x7, v3;
	v4 =	vand.u32 $0xFFFFFFC0, v63  }
0x2f: {  	v3 =	vor.u32 v3, v4  }
0x30: {  	v4 =	vperm.xlane v3, v0;
	_ =	sdelay $0x1  }
0x31: {  	v4 =	vadd.s32 v1, v4;
	_ =	sdelay $0x4  }
0x32: {  	[tilespmem:s19], [sflag:$0x1] =	stream.indirect_vreg.gather [hbm4b:s3+s2], $0x80, v4, vm0, $0xb8;
	[tilespmem:$0x8080] =	vst v63  }
0x33: {  	v3 =	vperm.xlane v3, v2  }
0x34: {  	[tilespmem:s20], [sflag:$0x1] =	stream.indirect_vreg.gather [hbm4b:s4+s2], $0x80, v4, vm0, $0xb8;
	[tilespmem:$0x8080] =	vst v63  }
0x35: {  	v3 =	vadd.s32 v1, v3  }
0x36: {  	[tilespmem:s21], [sflag:$0x1] =	stream.indirect_vreg.gather [hbm4b:s5+s2], $0x80, v4, vm0, $0xb8;
	[tilespmem:$0x8080] =	vst v63  }
0x37: {  	_ = 	snop  }
0x38: {  	[tilespmem:s22], [sflag:$0x1] =	stream.indirect_vreg.gather [hbm4b:s6+s2], $0x80, v4, vm0, $0xb8;
	[tilespmem:$0x8080] =	vst v63  }
0x39: {  	_ = 	snop  }
0x3a: {  	[tilespmem:s23], [sflag:$0x1] =	stream.indirect_vreg.gather [hbm4b:s3+s2], $0x80, v3, vm0, $0xb8;
	[tilespmem:$0x8080] =	vst v63  }
0x3b: {  	_ = 	snop  }
0x3c: {  	[tilespmem:s24], [sflag:$0x1] =	stream.indirect_vreg.gather [hbm4b:s4+s2], $0x80, v3, vm0, $0xb8;
	[tilespmem:$0x8080] =	vst v63  }
0x3d: {  	_ = 	snop  }
0x3e: {  	[tilespmem:s25], [sflag:$0x1] =	stream.indirect_vreg.gather [hbm4b:s5+s2], $0x80, v3, vm0, $0xb8;
	[tilespmem:$0x8080] =	vst v63  }
0x3f: {  	_ = 	snop  }
0x40: {  	[tilespmem:s26], [sflag:$0x1] =	stream.indirect_vreg.gather [hbm4b:s6+s2], $0x80, v3, vm0, $0xb8;
	[tilespmem:$0x8080] =	vst v63  }
0x41: {  	_ =	swait.ge [sflag:s28], $0x8000  }
0x42: {  	p0 =	sne.s32 s31, $0x13C;
	[sflag:s28] =	ssyncset.done $0x0  }
.Ltmp0:
0x43: {  	[sflag:s28] =	ssyncadd.s32 $0xFFFF8000;
	(pc) =	sbr.rel @p0 .LBB2_2-.Ltmp0, $4  }
0x44: {  	[hbm4b:s30+s2] =	stream.linear.scatter [tilespmem:s11], [sflag:$0x2], $0x8000, $0x38;
	[tilespmem:$0x8080] =	vst v63  }
0x45: {  	_ =	swait.ge [sflag:s10], $0x8000  }
0x46: {  	[sflag:s10] =	ssyncset.done $0x0  }
0x47: {  	s31 =	sadd.s32 $0x4, s31;
	s30 =	sadd.s32 $0x1000, s30;
	[sflag:s10] =	ssyncadd.s32 $0xFFFF8000  }
0x48: {  	s29 =	sadd.s32 $0x1, s29  }
0x49: {  	p0 =	sne.s32 s29, s7  }
.Ltmp1:
0x4a: {  	_ = 	snop;
	(pc) =	sbr.rel @p0 .LBB2_1-.Ltmp1, $1  }
0x4b: {  	_ =	sdelay $0x3  }
0x4c: {  	_ =	sfence.sel $0x180000  }
0x4d: {  	[bflag:$0x0] =	sbarrier.arrive $0xFFFF  }
0x4e: {  	_ =	strace $0x90000050  }
0x4f: {  	[bflag:$0x2] =	sbarrier.arrive $0xFFFF  }
0x50: {  	p0 =	sne.s32 s1, $0x0;
	s0 =	rddreg [dreg:$0x2]  }
0x51: {  	s0 =	sadd.s32 @!p0 $0x100000, s0  }
0x52: {  	[sflag:s0] =	ssyncadd.tile.s32 @!p0 $0x1;
	_ =	shalt  }
.Lfunc_end2:
_tile_overlayer_lowered:
.L_overlay_start_2:
0x53: {  	(tag) =	ssettag $0x2  }
0x54: {  	s0 =	rddreg [dreg:$0x0];
	s2 =	stileid.u32  }
0x55: {  	s1 =	rddreg [dreg:$0x1];
	p0 =	sne.s32 s2, $0x0  }
0x56: {  	s3 =	rddreg [dreg:$0x2];
	[bflag:$0x3] =	sbarrier.arrive $0xFFFF;
	s2 =	simm.s32 @!p0 $0x1C02  }
0x57: {  	[timem:s3], [sflag:s2] =	dma.local @!p0 [hbm:s0], s1  }
0x58: {  	s0 =	simm.s32 @!p0 $0x2  }
0x59: {  	_ =	swait.ge @!p0 [sflag:s0], s1  }
0x5a: {  	s1 =	ssub.s32 @!p0 $0x0, s1;
	[sflag:s0] =	ssyncset.done @!p0 $0x0  }
0x5b: {  	[sflag:s0] =	ssyncadd.s32 @!p0 s1  }
0x5c: {  	[bflag:$0x3] =	sbarrier.arrive $0xFFFF  }
0x5d: {  	_ =	shalt  }

// kernel: sparse-core-data-format-call.1.cloned.1.call-start
scs
called_computation.1_lowered:
.L_overlay_start_0:
0x0: {  	s1 =	sld [smem:$0x3FD9]  }
0x1: {  	s2 =	sld [smem:$0x3FFE];
	_ =	sdelay $0x1  }
0x2: {  	s3 =	srdreg.scid  }
0x3: {  	s0 =	sand.u32 $0x1, s3  }
0x4: {  	s17 =	sshll.u32 s0, $0xA;
	s1 =	sadd.s32 s2, s1  }
0x5: {  	s1 =	sadd.s32 s1, s17  }
0x6: {  	[smem:$0x3FBB] =	sst s1  }
0x7: {  	_ = 	snop  }
0x8: {  	(tm) =	ssettm $0x1  }
0x9: {  	s18 =	sld [smem:$0x3FFB];
	_ =	sdelay $0x3  }
0xa: {  	_ =	strace s18  }
0xb: {  	s1 =	sld [smem:$0x3FFC];
	_ =	sdelay $0x3  }
0xc: {  	_ =	strace s1  }
0xd: {  	s1 =	sld [smem:$0x3FFD];
	_ =	sdelay $0x3  }
0xe: {  	_ =	strace s1  }
0xf: {  	_ =	strace $0x8FFFFFFF  }
0x10: {  	s19 =	sld [smem:$0x3FDB];
	_ =	sdelay $0x1  }
0x11: {  	s20 =	simm.s32 $_scs_section_size  }
0x12: {  	s4 =	simm.s32 $_size__tile_overlayer_lowered;
	s5 =	simm.s32 $_tile_overlayer_lowered  }
0x13: {  	s23 =	simm.s32 $0x1BFF;
	s22 =	sshll.u32 s5, $0x1;
	s1 =	sadd.s32 s20, s19  }
0x14: {  	s6 =	simm.s32 $0x0;
	s21 =	sshll.u32 s4, $0x1;
	s4 =	sadd.s32 s22, s1  }
0x15: {  	[timem:s6], [sflag:s23] =	dma.local [hbm:s4], s21  }
0x16: {  	_ =	swait.ge [sflag:s23], s21  }
0x17: {  	s2 =	ssub.s32 $0x0, s21;
	[sflag:s23] =	ssyncset.done $0x0  }
0x18: {  	[sflag:s23] =	ssyncadd.s32 s2;
	_ =	sdelay $0x1  }
0x19: {  	s24 =	simm.s32 $0x1B8B  }
0x1a: {  	_ =	swait.ge [sflag:s24], $0x1  }
0x1b: {  	[sflag:s24] =	ssyncset.done $0x0  }
0x1c: {  	s26 =	simm.s32 $0x1B8E;
	s25 =	sld [smem:$0x3FFE];
	[sflag:s24] =	ssyncadd.s32 $0xFFFFFFFF  }
0x1d: {  	s27 =	simm.s32 $execute0_lowered;
	[smem:$0x3FD2] =	sst s26  }
0x1e: {  	s4 =	sshll.u32 s27, $0x1;
	_ =	strace $0x80000049;
	[dreg:$0x1] =	wrdreg $0xFFFFFFFF  }
0x1f: {  	s28 =	simm.s32 $_size_execute0_lowered;
	s1 =	sadd.s32 s1, s4;
	[dreg:$0x0] =	wrdreg $0x0  }
0x20: {  	s4 =	sshll.u32 s28, $0x1;
	[dreg:$0x2] =	wrdreg s1  }
0x21: {  	[dreg:$0x3] =	wrdreg s4  }
0x22: {  	[dreg:$0x4] =	wrdreg $0xC0  }
0x23: {  	_ =	task [dreg:s6], $0x5FFFF  }
0x24: {  	[dreg:$0x1] =	wrdreg $0xFFFFFFFF  }
0x25: {  	[dreg:$0x0] =	wrdreg $0x60  }
0x26: {  	[dreg:$0x2] =	wrdreg s25  }
0x27: {  	[dreg:$0x3] =	wrdreg $0x9  }
0x28: {  	_ =	task.clear_ibuf [dreg:s6], $0x4FFFF;
	_ =	strace $0x90000049  }
0x29: {  	s29 =	simm.s32 $0x9;
	_ =	strace $0x8000004B  }
0x2a: {  	_ =	swait.ge [sflag:s29], $0x1  }
0x2b: {  	[sflag:s29] =	ssyncadd.s32 $0xFFFFFFFF  }
0x2c: {  	_ =	strace $0x9000004B  }
0x2d: {  	_ =	sfence  }
0x2e: {  	s30 =	sld [smem:$0x0];
	_ =	sdelay $0x2  }
0x2f: {  	s31 =	sshll.u32 s3, $0xD;
	s3 =	sshrl.u32 s3, $0x2  }
0x30: {  	s2 =	sand.u32 $0x4000, s31;
	s1 =	sadd.s32 s3, s30  }
0x31: {  	s0 =	sor.u32 s2, s0;
	s1 =	sshll.u32 s1, $0x11  }
0x32: {  	s0 =	sor.u32 s1, s0  }
0x33: {  	s0 =	sadd.s32 $0x8F2B, s0  }
0x34: {  	[sflag:s0] =	ssyncadd.remote.s32 $0x1  }
0x35: {  	_ =	sfence.sel $0xFFFF  }
0x36: {  	[dreg:$0x0] =	wrdreg $0xFFFFFFFF;
	(pc) =	sbr.abs _section_cstart, $3  }
0x37: {  	[dreg:$0x1] =	wrdreg $0xFFFFFFFF  }
0x38: {  	_ =	task.clear_ibuf [dreg:s6], $0x2FFFF;
	_ =	strace $0x9FFFFFFF  }
0x39: {  	(tm) =	ssettm $0x7FFFFFFF  }
tec
execute0_lowered:
.L_overlay_start_1:
0x0: {  	(tag) =	ssettag $0x1  }
0x1: {  	s0 =	stileid.u32  }
0x2: {  	s1 =	srdreg.scid;
	s7 =	rddreg [dreg:$0x0];
	s31 =	simm.s32 $0x2  }
0x3: {  	s14 =	simm.s32 $0x0;
	s2 =	sshll.u32 s0, $0x6;
	s1 =	sshll.u32 s1, $0xA  }
0x4: {  	s10 =	simm.s32 $0x9E00;
	s13 =	simm.s32 $0x0;
	s2 =	sor.u32 s2, s1  }
0x5: {  	s12 =	simm.s32 $0x0;
	s4 =	sshll.u32 s0, $0x7;
	s2 =	sand.u32 $0x700, s2  }
0x6: {  	s1 =	rddreg [dreg:$0x1];
	s4 =	sand.u32 $0x180, s4;
	s5 =	ssub.s32 $0x800, s2  }
0x7: {  	_ =	strace $0x8000004A;
	s8 =	ssub.s32 $0x2700, s4;
	s6 =	sand.u32 $0x700, s5  }
0x8: {  	s8 =	sshrl.u32 s8, $0x9;
	p0 =	sne.s32 s6, $0x0;
	s6 =	simm.s32 $0x1  }
.Ltmp0:
0x9: {  	s9 =	sshrl.u32 s5, $0xB;
	s6 =	simm.s32 @!p0 $0x0;
	(pc) =	sbr.rel .LBB1_1-.Ltmp0, $4  }
0xa: {  	s5 =	simm.s32 $0x1;
	s8 =	sadd.s32 $0x1, s8;
	s6 =	sadd.s32 s6, s9  }
0xb: {  	s3 =	sadd.s32 $0x4A00, s7;
	[sflag:s5] =	ssyncpa.u1 $0x0;
	s6 =	smul.u32 s8, s6  }
0xc: {  	s7 =	sadd.s32 $0x13D200, s7;
	s11 =	smov.u32 s4;
	[sflag:s31] =	ssyncpa.u1 $0x0  }
0xd: {  	p0 =	por $0x0, $0x0;
	s8 =	sshll.u32 s2, $0x3;
	s9 =	sadd.s32 $0x1, s6  }
.LBB1_4:
0xe: {  	[tilespmem:s18+$0x1 ss:$0x81] =	vst.msk $0xffff, v11;
	v8 =	vcombine.high v8, v10;
	v6 =	vperm.xlane.i2c.b16 v6;
	v50 =	vld [tilespmem:s17+$0x230];
	s14 =	sshrl.u32 s14, $0x3  }
0xf: {  	[tilespmem:s18+$0x810 ss:$0x81] =	vst.msk $0xffff, v12;
	v51 =	vcombine.low v7, v9;
	v3 =	vperm.xlane.i2c.b16 v3;
	s16 =	sshll.u32 s13, $0x3;
	v52 =	vld [tilespmem:s17+$0x240];
	s14 =	smul.u32 $0x13C00, s14  }
0x10: {  	v53 =	vcombine.high v7, v9;
	s29 =	sshll.u32 s13, $0x1;
	v54 =	vld [tilespmem:s17+$0x250];
	v0 =	vcombine.high v0, v1;
	s16 =	sand.u32 $0xFFFFFC00, s16;
	[tilespmem:s18+$0x811 ss:$0x81] =	vst.msk $0xffff, v8  }
0x11: {  	v5 =	vperm.xlane.i2c.b16 v5;
	v2 =	vperm.xlane.i2c.b16 v2;
	s13 =	sand.u32 $0xFE, s29;
	[tilespmem:s18+$0x1020 ss:$0x81] =	vst.msk $0xffff, v51;
	s14 =	sadd.s32 s16, s14  }
0x12: {  	v4 =	vperm.xlane.i2c.b16 v4;
	v55 =	vcombine.low v6, v3;
	[tilespmem:s15+$0x3061 ss:$0x81] =	vst.msk $0xffff, v0;
	s13 =	sor.u32 s13, s14  }
0x13: {  	v3 =	vcombine.high v6, v3;
	v56 =	vcombine.low v5, v2;
	[tilespmem:s18+$0x1021 ss:$0x81] =	vst.msk $0xffff, v53;
	s14 =	smulhi.u32 $0xCF6474A9, s13  }
0x14: {  	v2 =	vcombine.high v5, v2;
	[tilespmem:s18+$0x1830 ss:$0x81] =	vst.msk $0xffff, v55;
	v57 =	vperm.xlane.i2c.b16 v50  }
0x15: {  	[tilespmem:s18+$0x2040 ss:$0x81] =	vst.msk $0xffff, v56;
	v58 =	vperm.xlane.i2c.b16 v52;
	v60 =	vperm.xlane.i2c.b16 v54;
	s14 =	sshrl.u32 s14, $0xD  }
0x16: {  	[tilespmem:s18+$0x1831 ss:$0x81] =	vst.msk $0xffff, v3;
	v59 =	vcombine.low v4, v57;
	s30 =	smul.u32 $0x2780, s14  }
0x17: {  	[tilespmem:s18+$0x2041 ss:$0x81] =	vst.msk $0xffff, v2;
	v62 =	vcombine.low v58, v60  }
0x18: {  	v61 =	vcombine.high v4, v57;
	s14 =	sand.u32 $0x7FF, s14;
	[tilespmem:s18+$0x2850 ss:$0x81] =	vst.msk $0xffff, v59;
	s13 =	ssub.s32 s13, s30  }
0x19: {  	v63 =	vcombine.high v58, v60;
	s14 =	smul.u32 $0x278, s14;
	[tilespmem:s18+$0x3060 ss:$0x81] =	vst.msk $0xffff, v62;
	s31 =	sshrl.u32 s13, $0x4;
	s13 =	sshll.u32 s13, $0x11  }
0x1a: {  	[tilespmem:s18+$0x2851 ss:$0x81] =	vst.msk $0xffff, v61;
	s15 =	sadd.s32 s7, s31;
	s13 =	sand.u32 $0x1C0000, s13  }
0x1b: {  	[tilespmem:s18+$0x3061 ss:$0x81] =	vst.msk $0xffff, v63;
	s14 =	sadd.s32 s14, s15;
	s13 =	sor.u32 $0x200, s13  }
0x1c: {  	[hbm4b:s14+s13] =	stream.strided.scatter [tilespmem:s20], [sflag:$0x2], $0x4000, s10, s13, $0x20;
	[tilespmem:$0x10100] =	vst v63  }
.LBB1_5:
0x1d: {  	s15 =	sadd.s32 $0x200, s11  }
0x1e: {  	p2 =	sgt.s32 s15, $0x270F  }
0x1f: {  	s15 =	smov.u32 @p2 s4;
	p2 =	sne.s32 s12, s9  }
.Ltmp1:
0x20: {  	p1 =	slt.u32 s12, $0x2;
	(pc) =	sbr.rel @!p2 .LBB1_6-.Ltmp1, $4  }
0x21: {  	s14 =	simm.s32 @!p1 $0x2  }
0x22: {  	s16 =	sadd.s32 $0x1, s12;
	s13 =	smov.u32 s11;
	_ =	swait.ge @!p1 [sflag:s14], $0x4000  }
0x23: {  	p0 =	por !p0, !p0;
	s12 =	smov.u32 s16;
	[sflag:s14] =	ssyncset.done @!p1 $0x0  }
0x24: {  	s11 =	smov.u32 s15;
	[sflag:s14] =	ssyncadd.s32 @!p1 $0xFFFFC000;
	s14 =	smov.u32 s2  }
.LBB1_1:
0x25: {  	p1 =	sge.u32 s12, s6  }
0x26: {  	s15 =	sshll.u32 @!p1 s11, $0xB  }
0x27: {  	s15 =	sand.u32 @!p1 $0xFFFFC000, s15  }
0x28: {  	s16 =	smov.u32 s11;
	p2 =	sgt.s32 @!p1 s11, $0x2690;
	s15 =	sor.u32 @!p1 s8, s15  }
0x29: {  	s17 =	sshra.s32 @!p1 s11, $0x1F;
	p2 =	por !p2, p1;
	s15 =	sshrl.u32 @!p1 s15, $0xB  }
0x2a: {  	s17 =	sand.u32 @!p1 s17, s11;
	s16 =	simm.s32 @p2 $0x2690;
	s18 =	smulhi.u32 @!p1 $0x1A36E3, s15  }
0x2b: {  	s16 =	ssub.s32 @!p1 s16, s17  }
0x2c: {  	s16 =	sadd.s32 @!p1 $0xFFFFD970, s16;
	s17 =	sshrl.u32 @!p1 s18, $0x2  }
0x2d: {  	s18 =	sshll.u32 @!p1 s16, $0x8;
	s17 =	smul.u32 @!p1 $0x2710, s17  }
0x2e: {  	s31 =	sadd.s32 $0xFFFFFFFF, s12;
	s19 =	sxor.u32 @!p1 $0xFFFFFFFF, s12;
	s18 =	ssub.s32 @!p1 $0x8000, s18  }
0x2f: {  	s15 =	ssub.s32 @!p1 s15, s17;
	s17 =	sshrl.u32 @!p1 s18, $0x1;
	s18 =	sshll.u32 @!p1 s11, $0x3  }
0x30: {  	p2 =	sgt.s32 @!p1 s16, $0x7F;
	s16 =	sand.u32 @!p1 $0x3FFFFF80, s17;
	s17 =	sand.u32 @!p1 $0x30, s18  }
0x31: {  	p2 =	por !p2, p1;
	s15 =	sshll.u32 @!p1 s15, $0x7;
	s17 =	sadd.s32 @!p1 s3, s17  }
0x32: {  	s18 =	simm.s32 @!p1 $0x400;
	s15 =	sadd.s32 @!p1 s15, s17;
	s17 =	sshll.u32 @!p1 s19, $0xE  }
0x33: {  	s16 =	simm.s32 @!p2 $0x0;
	s19 =	simm.s32 @!p1 $0x2000;
	s17 =	sand.u32 @!p1 $0x4000, s17  }
0x34: {  	[tilespmem:s17], [sflag:$0x1] =	stream.strided.gather @!p1 [hbm4b:s15+s18], s16, s19, s18, $0x38;
	[tilespmem:$0x10100] =	vst v63  }
0x35: {  	p1 =	sge.u32 s31, s6  }
.Ltmp2:
0x36: {  	_ = 	snop;
	(pc) =	sbr.rel @p1 .LBB1_5-.Ltmp2, $1  }
0x37: {  	_ =	sdelay $0x3  }
0x38: {  	p1 =	sgt.s32 s13, $0x2690;
	s15 =	smov.u32 s13;
	s16 =	sshra.s32 s13, $0x1F  }
0x39: {  	s15 =	simm.s32 @!p1 $0x2690;
	s16 =	sand.u32 s16, s13  }
0x3a: {  	s15 =	ssub.s32 s15, s16  }
0x3b: {  	s15 =	sadd.s32 $0xFFFFD970, s15  }
0x3c: {  	s28 =	sshll.u32 s15, $0x8  }
0x3d: {  	s16 =	ssub.s32 $0x8000, s28  }
0x3e: {  	s16 =	sshrl.u32 s16, $0x1  }
0x3f: {  	s19 =	simm.s32 $0x0;
	p1 =	sgt.s32 s15, $0x7F;
	s15 =	sand.u32 $0x3FFFFF80, s16  }
0x40: {  	s18 =	sand.u32 $0x1, s12;
	s29 =	sand.u32 $0x3C00, s19;
	s15 =	simm.s32 @p1 $0x0  }
0x41: {  	s19 =	sand.u32 $0x180, s19;
	s16 =	sshll.u32 s18, $0xE;
	_ =	swait.ge [sflag:s5], s15  }
0x42: {  	s17 =	ssub.s32 $0x0, s15;
	s15 =	sadd.s32 s29, s16;
	[sflag:s5] =	ssyncset.done $0x0  }
0x43: {  	s20 =	sadd.s32 s19, s15;
	[sflag:s5] =	ssyncadd.s32 s17  }
0x44: {  	v0 =	vld [tilespmem:s20+$0x260]  }
0x45: {  	v1 =	vld [tilespmem:s20+$0x270]  }
0x46: {  	v2 =	vld [tilespmem:s20+$0x0]  }
0x47: {  	v3 =	vld [tilespmem:s20+$0x10]  }
0x48: {  	v4 =	vld [tilespmem:s20+$0x20]  }
0x49: {  	s15 =	simm.s32 $0x1;
	v5 =	vld [tilespmem:s20+$0x30]  }
0x4a: {  	s15 =	simm.s32 @!p0 $0x0;
	v6 =	vld [tilespmem:s20+$0x40]  }
0x4b: {  	s15 =	smul.u32 $0x10200, s15;
	v7 =	vld [tilespmem:s20+$0x50];
	v1 =	vperm.xlane.i2c.b16 v1;
	v0 =	vperm.xlane.i2c.b16 v0  }
0x4c: {  	v8 =	vld [tilespmem:s20+$0x60];
	v2 =	vperm.xlane.i2c.b16 v2;
	v3 =	vperm.xlane.i2c.b16 v3  }
0x4d: {  	v10 =	vld [tilespmem:s20+$0x70];
	s15 =	sshrl.u32 s15, $0x2;
	v9 =	vcombine.low v0, v1;
	v0 =	vcombine.high v0, v1  }
0x4e: {  	s15 =	sor.u32 $0x8000, s15;
	v1 =	vperm.xlane.i2c.b16 v5;
	v5 =	vld [tilespmem:s20+$0x200];
	v11 =	vcombine.low v2, v3  }
0x4f: {  	v4 =	vperm.xlane.i2c.b16 v4;
	v2 =	vcombine.high v2, v3;
	v3 =	vld [tilespmem:s20+$0x210];
	[tilespmem:s15+$0x3870 ss:$0x81] =	vst.msk $0xffff, v9  }
0x50: {  	s30 =	simm.s32 $0x100;
	v6 =	vperm.xlane.i2c.b16 v6;
	v7 =	vperm.xlane.i2c.b16 v7;
	v9 =	vld [tilespmem:s20+$0x220];
	[tilespmem:s15+$0x0 ss:$0x81] =	vst.msk $0xffff, v11  }
0x51: {  	s19 =	simm.s32 $0x80;
	s17 =	sand.u32 $0x3C00, s30;
	[tilespmem:s15+$0x3871 ss:$0x81] =	vst.msk $0xffff, v0;
	v0 =	vcombine.low v4, v1;
	v1 =	vcombine.high v4, v1;
	v4 =	vld [tilespmem:s20+$0x230]  }
0x52: {  	s21 =	sand.u32 $0x180, s19;
	s17 =	sadd.s32 s17, s16;
	[tilespmem:s15+$0x1 ss:$0x81] =	vst.msk $0xffff, v2;
	v2 =	vperm.xlane.i2c.b16 v8;
	v8 =	vperm.xlane.i2c.b16 v10;
	v10 =	vld [tilespmem:s20+$0x240]  }
0x53: {  	s17 =	sadd.s32 s21, s17;
	[tilespmem:s15+$0x810 ss:$0x81] =	vst.msk $0xffff, v0;
	v0 =	vcombine.low v6, v7;
	v6 =	vcombine.high v6, v7;
	v7 =	vld [tilespmem:s20+$0x250]  }
0x54: {  	v11 =	vcombine.low v2, v8;
	[tilespmem:s15+$0x811 ss:$0x81] =	vst.msk $0xffff, v1;
	v1 =	vperm.xlane.i2c.b16 v5;
	v5 =	vld [tilespmem:s17+$0x260]  }
0x55: {  	v2 =	vcombine.high v2, v8;
	[tilespmem:s15+$0x1020 ss:$0x81] =	vst.msk $0xffff, v0;
	v0 =	vperm.xlane.i2c.b16 v3;
	v3 =	vld [tilespmem:s17+$0x270]  }
0x56: {  	v8 =	vld [tilespmem:s17+$0x0];
	[tilespmem:s15+$0x1021 ss:$0x81] =	vst.msk $0xffff, v6;
	v6 =	vperm.xlane.i2c.b16 v9;
	v4 =	vperm.xlane.i2c.b16 v4  }
0x57: {  	[tilespmem:s15+$0x1830 ss:$0x81] =	vst.msk $0xffff, v11;
	v11 =	vld [tilespmem:s17+$0x10];
	v9 =	vcombine.low v1, v0;
	v12 =	vcombine.high v1, v0  }
0x58: {  	[tilespmem:s15+$0x1831 ss:$0x81] =	vst.msk $0xffff, v2;
	v2 =	vld [tilespmem:s17+$0x20];
	v0 =	vperm.xlane.i2c.b16 v10;
	v10 =	vcombine.low v6, v4  }
0x59: {  	v1 =	vperm.xlane.i2c.b16 v7;
	v7 =	vld [tilespmem:s17+$0x30];
	v4 =	vcombine.high v6, v4;
	[tilespmem:s15+$0x2040 ss:$0x81] =	vst.msk $0xffff, v9  }
0x5a: {  	v9 =	vld [tilespmem:s17+$0x40];
	v5 =	vperm.xlane.i2c.b16 v5;
	[tilespmem:s15+$0x2041 ss:$0x81] =	vst.msk $0xffff, v12;
	v12 =	vperm.xlane.i2c.b16 v3  }
0x5b: {  	v14 =	vld [tilespmem:s17+$0x50];
	v13 =	vperm.xlane.i2c.b16 v8;
	[tilespmem:s15+$0x2850 ss:$0x81] =	vst.msk $0xffff, v10;
	v10 =	vcombine.low v0, v1  }
0x5c: {  	v6 =	vld [tilespmem:s17+$0x60];
	[tilespmem:s15+$0x2851 ss:$0x81] =	vst.msk $0xffff, v4;
	v4 =	vperm.xlane.i2c.b16 v11;
	v11 =	vcombine.low v5, v12  }
0x5d: {  	s31 =	smul.u32 $0x10200, s18;
	s18 =	sadd.s32 $0x2, s15;
	v3 =	vld [tilespmem:s17+$0x70];
	v8 =	vperm.xlane.i2c.b16 v2;
	v12 =	vcombine.high v5, v12;
	[tilespmem:s15+$0x3060 ss:$0x81] =	vst.msk $0xffff, v10  }
0x5e: {  	v5 =	vld [tilespmem:s17+$0x200];
	v15 =	vcombine.low v13, v4;
	v10 =	vperm.xlane.i2c.b16 v7;
	[tilespmem:s18+$0x3870 ss:$0x81] =	vst.msk $0xffff, v11  }
0x5f: {  	s20 =	sshrl.u32 s31, $0x2;
	v2 =	vld [tilespmem:s17+$0x210];
	v11 =	vcombine.high v13, v4;
	v7 =	vperm.xlane.i2c.b16 v9;
	[tilespmem:s18+$0x3871 ss:$0x81] =	vst.msk $0xffff, v12  }
0x60: {  	s22 =	simm.s32 $0x200;
	s21 =	simm.s32 $0x2;
	s20 =	sor.u32 $0x8000, s20;
	v9 =	vperm.xlane.i2c.b16 v14;
	v4 =	vld [tilespmem:s17+$0x220];
	[tilespmem:s18+$0x0 ss:$0x81] =	vst.msk $0xffff, v15;
	v12 =	vcombine.low v8, v10  }
.LBB1_3:
0x61: {  	s23 =	sand.u32 $0x3C00, s22;
	[tilespmem:s18+$0x1 ss:$0x81] =	vst.msk $0xffff, v11;
	v8 =	vcombine.high v8, v10;
	v6 =	vperm.xlane.i2c.b16 v6;
	v10 =	vld [tilespmem:s17+$0x230];
	s19 =	sadd.s32 $0x80, s19  }
0x62: {  	v11 =	vcombine.low v7, v9;
	v3 =	vperm.xlane.i2c.b16 v3;
	s24 =	sand.u32 $0x180, s19;
	s23 =	sadd.s32 s23, s16;
	[tilespmem:s18+$0x810 ss:$0x81] =	vst.msk $0xffff, v12;
	v12 =	vld [tilespmem:s17+$0x240]  }
0x63: {  	s21 =	sadd.s32 $0x2, s21;
	v7 =	vcombine.high v7, v9;
	v5 =	vperm.xlane.i2c.b16 v5;
	[tilespmem:s18+$0x811 ss:$0x81] =	vst.msk $0xffff, v8;
	v8 =	vld [tilespmem:s17+$0x250];
	s17 =	sadd.s32 s24, s23  }
0x64: {  	v2 =	vperm.xlane.i2c.b16 v2;
	p1 =	slt.u32 s21, $0x7E;
	v9 =	vld [tilespmem:s17+$0x260];
	[tilespmem:s18+$0x1020 ss:$0x81] =	vst.msk $0xffff, v11;
	v11 =	vcombine.low v6, v3  }
0x65: {  	v4 =	vperm.xlane.i2c.b16 v4;
	v3 =	vcombine.high v6, v3;
	v13 =	vld [tilespmem:s17+$0x270];
	[tilespmem:s18+$0x1021 ss:$0x81] =	vst.msk $0xffff, v7  }
0x66: {  	v7 =	vcombine.low v5, v2;
	v6 =	vld [tilespmem:s17+$0x0];
	[tilespmem:s18+$0x1830 ss:$0x81] =	vst.msk $0xffff, v11;
	v10 =	vperm.xlane.i2c.b16 v10  }
0x67: {  	v2 =	vcombine.high v5, v2;
	v11 =	vld [tilespmem:s17+$0x10];
	[tilespmem:s18+$0x1831 ss:$0x81] =	vst.msk $0xffff, v3;
	v3 =	vperm.xlane.i2c.b16 v12  }
0x68: {  	v5 =	vld [tilespmem:s17+$0x20];
	[tilespmem:s18+$0x2040 ss:$0x81] =	vst.msk $0xffff, v7;
	v7 =	vcombine.low v4, v10;
	v8 =	vperm.xlane.i2c.b16 v8  }
0x69: {  	v12 =	vld [tilespmem:s17+$0x30];
	[tilespmem:s18+$0x2041 ss:$0x81] =	vst.msk $0xffff, v2;
	v2 =	vcombine.high v4, v10;
	v4 =	vcombine.high v0, v1;
	v0 =	vmov v3  }
0x6a: {  	v9 =	vperm.xlane.i2c.b16 v9;
	v14 =	vld [tilespmem:s17+$0x40];
	v10 =	vperm.xlane.i2c.b16 v13;
	[tilespmem:s18+$0x2850 ss:$0x81] =	vst.msk $0xffff, v7;
	v1 =	vmov v8  }
0x6b: {  	v7 =	vperm.xlane.i2c.b16 v6;
	v13 =	vld [tilespmem:s17+$0x50];
	[tilespmem:s18+$0x2851 ss:$0x81] =	vst.msk $0xffff, v2;
	v2 =	vcombine.low v0, v1  }
.Ltmp3:
0x6c: {  	v11 =	vperm.xlane.i2c.b16 v11;
	v6 =	vld [tilespmem:s17+$0x60];
	v15 =	vcombine.low v9, v10;
	[tilespmem:s15+$0x3061 ss:$0x81] =	vst.msk $0xffff, v4;
	s15 =	smov.u32 s18;
	(pc) =	sbr.rel @p1 .LBB1_3-.Ltmp3, $4  }
0x6d: {  	v4 =	vcombine.high v9, v10;
	s18 =	sadd.s32 $0x2, s18;
	v8 =	vperm.xlane.i2c.b16 v5;
	v3 =	vld [tilespmem:s17+$0x70];
	[tilespmem:s15+$0x3060 ss:$0x81] =	vst.msk $0xffff, v2  }
0x6e: {  	v9 =	vcombine.low v7, v11;
	v10 =	vperm.xlane.i2c.b16 v12;
	v5 =	vld [tilespmem:s17+$0x200];
	[tilespmem:s18+$0x3870 ss:$0x81] =	vst.msk $0xffff, v15  }
0x6f: {  	v11 =	vcombine.high v7, v11;
	v7 =	vperm.xlane.i2c.b16 v14;
	v2 =	vld [tilespmem:s17+$0x210];
	[tilespmem:s18+$0x3871 ss:$0x81] =	vst.msk $0xffff, v4  }
0x70: {  	s22 =	sadd.s32 $0x100, s22;
	[tilespmem:s18+$0x0 ss:$0x81] =	vst.msk $0xffff, v9;
	v12 =	vcombine.low v8, v10;
	v9 =	vperm.xlane.i2c.b16 v13;
	v4 =	vld [tilespmem:s17+$0x220]  }
.Ltmp4:
0x71: {  	_ = 	snop;
	(pc) =	sbr.rel .LBB1_4-.Ltmp4, $1  }
0x72: {  	_ =	sdelay $0x3  }
.LBB1_6:
0x73: {  	_ =	sfence.sel $0x180000  }
0x74: {  	s2 =	simm.s32 $0x1;
	[bflag:$0x0] =	sbarrier.arrive $0xFFFF  }
0x75: {  	s31 =	simm.s32 $0x2;
	[sflag:s2] =	ssyncpa.u1 $0x1  }
0x76: {  	[sflag:s31] =	ssyncpa.u1 $0x1  }
0x77: {  	p0 =	sne.s32 s0, $0x0;
	_ =	strace $0x9000004A  }
0x78: {  	s0 =	sadd.s32 @!p0 $0x100000, s1;
	[bflag:$0x2] =	sbarrier.arrive $0xFFFF  }
0x79: {  	[sflag:s0] =	ssyncadd.tile.s32 @!p0 $0x1;
	_ =	shalt  }
.Lfunc_end1:
_tile_overlayer_lowered:
.L_overlay_start_2:
0x7a: {  	(tag) =	ssettag $0x2  }
0x7b: {  	s0 =	rddreg [dreg:$0x0];
	s2 =	stileid.u32  }
0x7c: {  	s1 =	rddreg [dreg:$0x1];
	p0 =	sne.s32 s2, $0x0  }
0x7d: {  	s3 =	rddreg [dreg:$0x2];
	[bflag:$0x3] =	sbarrier.arrive $0xFFFF;
	s2 =	simm.s32 @!p0 $0x1C01  }
0x7e: {  	[timem:s3], [sflag:s2] =	dma.local @!p0 [hbm:s0], s1  }
0x7f: {  	s0 =	simm.s32 @!p0 $0x1  }
0x80: {  	_ =	swait.ge @!p0 [sflag:s0], s1  }
0x81: {  	s1 =	ssub.s32 @!p0 $0x0, s1;
	[sflag:s0] =	ssyncset.done @!p0 $0x0  }
0x82: {  	[sflag:s0] =	ssyncadd.s32 @!p0 s1  }
0x83: {  	[bflag:$0x3] =	sbarrier.arrive $0xFFFF  }
0x84: {  	_ =	shalt  }

// kernel: sparse-core-data-format-call.cloned.1.call-start
scs
called_computation_lowered:
.L_overlay_start_0:
0x0: {  	s1 =	sld [smem:$0x3FD9]  }
0x1: {  	s2 =	sld [smem:$0x3FFE];
	_ =	sdelay $0x1  }
0x2: {  	s3 =	srdreg.scid  }
0x3: {  	s0 =	sand.u32 $0x1, s3  }
0x4: {  	s17 =	sshll.u32 s0, $0xA;
	s1 =	sadd.s32 s2, s1  }
0x5: {  	s1 =	sadd.s32 s1, s17  }
0x6: {  	[smem:$0x3FBB] =	sst s1  }
0x7: {  	_ = 	snop  }
0x8: {  	(tm) =	ssettm $0x1  }
0x9: {  	s18 =	sld [smem:$0x3FFB];
	_ =	sdelay $0x3  }
0xa: {  	_ =	strace s18  }
0xb: {  	s1 =	sld [smem:$0x3FFC];
	_ =	sdelay $0x3  }
0xc: {  	_ =	strace s1  }
0xd: {  	s1 =	sld [smem:$0x3FFD];
	_ =	sdelay $0x3  }
0xe: {  	_ =	strace s1  }
0xf: {  	_ =	strace $0x8FFFFFFF  }
0x10: {  	s19 =	sld [smem:$0x3FDB];
	_ =	sdelay $0x1  }
0x11: {  	s20 =	simm.s32 $_scs_section_size  }
0x12: {  	s4 =	simm.s32 $_size__tile_overlayer_lowered;
	s5 =	simm.s32 $_tile_overlayer_lowered  }
0x13: {  	s23 =	simm.s32 $0x1BFF;
	s22 =	sshll.u32 s5, $0x1;
	s1 =	sadd.s32 s20, s19  }
0x14: {  	s6 =	simm.s32 $0x0;
	s21 =	sshll.u32 s4, $0x1;
	s4 =	sadd.s32 s22, s1  }
0x15: {  	[timem:s6], [sflag:s23] =	dma.local [hbm:s4], s21  }
0x16: {  	_ =	swait.ge [sflag:s23], s21  }
0x17: {  	s2 =	ssub.s32 $0x0, s21;
	[sflag:s23] =	ssyncset.done $0x0  }
0x18: {  	[sflag:s23] =	ssyncadd.s32 s2;
	_ =	sdelay $0x1  }
0x19: {  	s24 =	simm.s32 $0x1B8B  }
0x1a: {  	_ =	swait.ge [sflag:s24], $0x1  }
0x1b: {  	[sflag:s24] =	ssyncset.done $0x0  }
0x1c: {  	s26 =	simm.s32 $0x1B8E;
	s25 =	sld [smem:$0x3FFE];
	[sflag:s24] =	ssyncadd.s32 $0xFFFFFFFF  }
0x1d: {  	s27 =	simm.s32 $execute0_lowered;
	[smem:$0x3FD2] =	sst s26  }
0x1e: {  	s4 =	sshll.u32 s27, $0x1;
	_ =	strace $0x8000004C;
	[dreg:$0x1] =	wrdreg $0xFFFFFFFF  }
0x1f: {  	s28 =	simm.s32 $_size_execute0_lowered;
	s1 =	sadd.s32 s1, s4;
	[dreg:$0x0] =	wrdreg $0x0  }
0x20: {  	s4 =	sshll.u32 s28, $0x1;
	[dreg:$0x2] =	wrdreg s1  }
0x21: {  	[dreg:$0x3] =	wrdreg s4  }
0x22: {  	[dreg:$0x4] =	wrdreg $0xC0  }
0x23: {  	_ =	task [dreg:s6], $0x5FFFF  }
0x24: {  	[dreg:$0x1] =	wrdreg $0xFFFFFFFF  }
0x25: {  	[dreg:$0x0] =	wrdreg $0x60  }
0x26: {  	[dreg:$0x2] =	wrdreg s25  }
0x27: {  	[dreg:$0x3] =	wrdreg $0x9  }
0x28: {  	_ =	task.clear_ibuf [dreg:s6], $0x4FFFF;
	_ =	strace $0x9000004C  }
0x29: {  	s29 =	simm.s32 $0x9;
	_ =	strace $0x8000004E  }
0x2a: {  	_ =	swait.ge [sflag:s29], $0x1  }
0x2b: {  	[sflag:s29] =	ssyncadd.s32 $0xFFFFFFFF  }
0x2c: {  	_ =	strace $0x9000004E  }
0x2d: {  	_ =	sfence  }
0x2e: {  	s30 =	sld [smem:$0x0];
	_ =	sdelay $0x2  }
0x2f: {  	s31 =	sshll.u32 s3, $0xD;
	s3 =	sshrl.u32 s3, $0x2  }
0x30: {  	s2 =	sand.u32 $0x4000, s31;
	s1 =	sadd.s32 s3, s30  }
0x31: {  	s0 =	sor.u32 s2, s0;
	s1 =	sshll.u32 s1, $0x11  }
0x32: {  	s0 =	sor.u32 s1, s0  }
0x33: {  	s0 =	sadd.s32 $0x8F2B, s0  }
0x34: {  	[sflag:s0] =	ssyncadd.remote.s32 $0x1  }
0x35: {  	_ =	sfence.sel $0xFFFF  }
0x36: {  	[dreg:$0x0] =	wrdreg $0xFFFFFFFF;
	(pc) =	sbr.abs _section_cstart, $3  }
0x37: {  	[dreg:$0x1] =	wrdreg $0xFFFFFFFF  }
0x38: {  	_ =	task.clear_ibuf [dreg:s6], $0x2FFFF;
	_ =	strace $0x9FFFFFFF  }
0x39: {  	(tm) =	ssettm $0x7FFFFFFF  }
tec
execute0_lowered:
.L_overlay_start_1:
0x0: {  	(tag) =	ssettag $0x1  }
0x1: {  	s0 =	stileid.u32  }
0x2: {  	s1 =	srdreg.scid;
	s7 =	rddreg [dreg:$0x0]  }
0x3: {  	s31 =	simm.s32 $0x2;
	s16 =	simm.s32 $0x0;
	s9 =	simm.s32 $0x2000  }
0x4: {  	s15 =	simm.s32 $0x0;
	s10 =	simm.s32 $0x0;
	s11 =	simm.s32 $0x0  }
0x5: {  	s14 =	simm.s32 $0x0;
	s2 =	sshll.u32 s0, $0x7;
	s3 =	sshll.u32 s1, $0x7  }
0x6: {  	s1 =	rddreg [dreg:$0x1];
	s4 =	ssub.s32 $0x800, s2;
	s3 =	sand.u32 $0x80, s3  }
0x7: {  	_ =	strace $0x8000004D;
	s5 =	sand.u32 $0x780, s4;
	s6 =	ssub.s32 $0x2700, s3  }
0x8: {  	s4 =	sshrl.u32 s4, $0xB;
	p0 =	sne.s32 s5, $0x0;
	s5 =	simm.s32 $0x1  }
.Ltmp0:
0x9: {  	s6 =	sshrl.u32 s6, $0x8;
	s5 =	simm.s32 @!p0 $0x0;
	(pc) =	sbr.rel .LBB1_1-.Ltmp0, $4  }
0xa: {  	s13 =	smov.u32 s2;
	s6 =	sadd.s32 $0x1, s6;
	s8 =	sadd.s32 s5, s4  }
0xb: {  	s12 =	smov.u32 s3;
	s5 =	simm.s32 $0x1;
	s6 =	smul.u32 s6, s8  }
0xc: {  	p0 =	por $0x0, $0x0;
	s4 =	sadd.s32 $0x13D200, s7;
	[sflag:s5] =	ssyncpa.u1 $0x0  }
0xd: {  	s7 =	sadd.s32 $0x4A00, s7;
	[sflag:s31] =	ssyncpa.u1 $0x0;
	s8 =	sadd.s32 $0x1, s6  }
.LBB1_4:
0xe: {  	s19 =	sadd.s32 s23, s17;
	s20 =	sshrl.u32 s22, $0x1  }
0xf: {  	s21 =	sshll.u32 s10, $0xB;
	s22 =	sshll.u32 s11, $0x3;
	p1 =	sgt.s32 s10, $0x2690  }
0x10: {  	s23 =	smov.u32 s10;
	s24 =	sshra.s32 s10, $0x1F;
	s25 =	smov.u32 s11  }
0x11: {  	s26 =	sshra.s32 s11, $0x1F;
	s19 =	sadd.s32 s20, s19;
	s27 =	sand.u32 $0xFFFFC000, s21  }
0x12: {  	s28 =	sand.u32 $0xFFFFFC00, s22;
	s21 =	sshll.u32 s10, $0x7;
	s23 =	simm.s32 @!p1 $0x2690  }
0x13: {  	v7 =	vperm.xlane.i2c.b16 v7;
	s24 =	sand.u32 s24, s10;
	p1 =	sgt.s32 s11, $0x780;
	s29 =	sand.u32 s26, s11  }
0x14: {  	[tilespmem:s18+$0x1021 ss:$0x81] =	vst.msk $0xffff, v10;
	v0 =	vcombine.high v5, v0;
	v57 =	vcombine.low v9, v8;
	s22 =	sand.u32 $0x400, s22;
	s20 =	sadd.s32 s28, s27;
	s23 =	ssub.s32 s23, s24  }
0x15: {  	v6 =	vperm.xlane.i2c.b16 v6;
	[tilespmem:s18+$0x0 ss:$0x81] =	vst.msk $0xffff, v11;
	v58 =	vcombine.high v9, v8;
	s25 =	simm.s32 @!p1 $0x780;
	s27 =	sshll.u32 s11, $0x1;
	s21 =	sand.u32 $0x300, s21  }
0x16: {  	v3 =	vperm.xlane.i2c.b16 v3;
	v4 =	vperm.xlane.i2c.b16 v4;
	[tilespmem:s18+$0x1 ss:$0x81] =	vst.msk $0xffff, v0;
	s20 =	sshrl.u32 s20, $0xB;
	s24 =	ssub.s32 s25, s29;
	s31 =	sadd.s32 $0xFFFFD970, s23  }
0x17: {  	v2 =	vperm.xlane.i2c.b16 v2;
	[tilespmem:s19+$0x1830 ss:$0x81] =	vst.msk $0xffff, v57;
	v59 =	vcombine.low v7, v6;
	s18 =	ssub.s32 $0x2710, s23;
	s23 =	sand.u32 $0xF0, s27;
	s30 =	smulhi.u32 $0x1A36E3, s20  }
0x18: {  	v61 =	vcombine.low v3, v4;
	[tilespmem:s19+$0x1831 ss:$0x81] =	vst.msk $0xffff, v58;
	p1 =	sgt.s32 s31, $0x7F;
	s25 =	sadd.s32 $0xFFFFF880, s24;
	s24 =	ssub.s32 $0x800, s24  }
0x19: {  	v62 =	vcombine.low v2, v1;
	[tilespmem:s19+$0x810 ss:$0x81] =	vst.msk $0xffff, v59;
	s18 =	simm.s32 @p1 $0x0;
	p1 =	sgt.s32 s25, $0x7F;
	s28 =	sshrl.u32 s30, $0x2  }
0x1a: {  	v60 =	vcombine.high v7, v6;
	s22 =	sor.u32 s22, s23;
	[tilespmem:s19+$0x1020 ss:$0x81] =	vst.msk $0xffff, v61;
	s24 =	simm.s32 @p1 $0x0;
	s25 =	smul.u32 $0x2710, s28  }
0x1b: {  	v3 =	vcombine.high v3, v4;
	s29 =	sand.u32 $0x7, s11;
	[tilespmem:s19+$0x0 ss:$0x81] =	vst.msk $0xffff, v62;
	s21 =	sor.u32 s21, s22;
	s18 =	smul.u32 s24, s18  }
0x1c: {  	v63 =	vcombine.high v2, v1;
	[tilespmem:s19+$0x811 ss:$0x81] =	vst.msk $0xffff, v60;
	s22 =	sshll.u32 s29, $0x12;
	s21 =	sshrl.u32 s21, $0x4;
	s20 =	ssub.s32 s20, s25  }
0x1d: {  	[tilespmem:s19+$0x1021 ss:$0x81] =	vst.msk $0xffff, v3;
	s21 =	sadd.s32 s7, s21;
	s18 =	sshrl.u32 s18, $0x1;
	s20 =	sshll.u32 s20, $0x7  }
0x1e: {  	[tilespmem:s19+$0x1 ss:$0x81] =	vst.msk $0xffff, v63;
	s31 =	sor.u32 $0x200, s22;
	s18 =	sand.u32 $0x3FFFFFFF, s18;
	s30 =	sadd.s32 s20, s21  }
0x1f: {  	[hbm4b:s30+s31] =	stream.strided.scatter [tilespmem:s17], [sflag:$0x2], s18, s9, s31, $0x20;
	[tilespmem:$0x8080] =	vst v63  }
.LBB1_5:
0x20: {  	p1 =	slt.u32 s14, $0x2  }
0x21: {  	s18 =	smov.u32 s16;
	p2 =	sgt.s32 @!p1 s16, $0x2690;
	s17 =	sshra.s32 @!p1 s16, $0x1F  }
0x22: {  	p3 =	sgt.s32 @!p1 s15, $0x780;
	s19 =	sshra.s32 @!p1 s15, $0x1F;
	p2 =	por !p2, p1  }
0x23: {  	s16 =	sand.u32 @!p1 s17, s16;
	p3 =	por !p3, p1;
	s17 =	smov.u32 s15  }
0x24: {  	s15 =	sand.u32 @!p1 s19, s15;
	s18 =	simm.s32 @p2 $0x2690;
	s17 =	simm.s32 @p3 $0x780  }
0x25: {  	s16 =	ssub.s32 @!p1 s18, s16;
	s15 =	ssub.s32 @!p1 s17, s15  }
0x26: {  	s19 =	smov.u32 s13;
	s17 =	sadd.s32 @!p1 $0xFFFFD970, s16;
	s18 =	sadd.s32 @!p1 $0xFFFFF880, s15  }
0x27: {  	s16 =	ssub.s32 @!p1 $0x2710, s16;
	p2 =	sgt.s32 @!p1 s17, $0x7F;
	p3 =	sgt.s32 @!p1 s18, $0x7F  }
0x28: {  	s15 =	ssub.s32 @!p1 $0x800, s15;
	p2 =	por !p2, p1;
	p3 =	por !p3, p1  }
0x29: {  	s17 =	sadd.s32 $0x100, s12;
	s16 =	simm.s32 @!p2 $0x0;
	s15 =	simm.s32 @!p3 $0x0  }
0x2a: {  	p2 =	sgt.s32 s17, $0x270F;
	s15 =	smul.u32 @!p1 s15, s16;
	s16 =	sadd.s32 $0x800, s13  }
0x2b: {  	s19 =	smov.u32 @p2 s16  }
0x2c: {  	s17 =	smov.u32 @p2 s3;
	p2 =	sgt.s32 s19, $0x7FF  }
0x2d: {  	p0 =	por !p0, !p0;
	s19 =	smov.u32 @p2 s2;
	p2 =	sne.s32 s14, s8  }
.Ltmp1:
0x2e: {  	s18 =	simm.s32 @!p1 $0x2;
	s15 =	sshrl.u32 @!p1 s15, $0x1;
	(pc) =	sbr.rel @!p2 .LBB1_6-.Ltmp1, $4  }
0x2f: {  	s16 =	smov.u32 s10;
	s10 =	smov.u32 s12;
	s15 =	sand.u32 @!p1 $0x3FFFFFFF, s15  }
0x30: {  	s12 =	smov.u32 s17;
	s14 =	sadd.s32 $0x1, s14;
	_ =	swait.ge @!p1 [sflag:s18], s15  }
0x31: {  	s20 =	ssub.s32 @!p1 $0x0, s15;
	s15 =	smov.u32 s11;
	[sflag:s18] =	ssyncset.done @!p1 $0x0  }
0x32: {  	s11 =	smov.u32 s13;
	s13 =	smov.u32 s19;
	[sflag:s18] =	ssyncadd.s32 @!p1 s20  }
.LBB1_1:
0x33: {  	p1 =	sge.u32 s14, s6  }
0x34: {  	s17 =	sshrl.u32 @!p1 s13, $0x3  }
0x35: {  	s18 =	sshll.u32 @!p1 s12, $0x3;
	s17 =	smul.u32 @!p1 $0x13C00, s17  }
0x36: {  	s19 =	sshll.u32 @!p1 s13, $0x7;
	s18 =	sand.u32 @!p1 $0xFFFFFC00, s18  }
0x37: {  	s17 =	sadd.s32 @!p1 s17, s18;
	s18 =	sand.u32 @!p1 $0x300, s19;
	s19 =	sshll.u32 @!p1 s12, $0x1  }
0x38: {  	s17 =	sor.u32 @!p1 s18, s17;
	s18 =	sand.u32 @!p1 $0xFE, s19  }
0x39: {  	s19 =	sand.u32 @!p1 $0x1, s13;
	s17 =	sor.u32 @!p1 s18, s17  }
0x3a: {  	s18 =	sor.u32 @!p1 s19, s17  }
0x3b: {  	s19 =	smulhi.u32 @!p1 $0xCF6474A9, s18;
	_ =	sdelay $0x1  }
0x3c: {  	s17 =	smulhi.u32 @!p1 $0xCF6474A9, s17;
	s19 =	sshrl.u32 @!p1 s19, $0xD  }
0x3d: {  	s19 =	smul.u32 @!p1 $0x2780, s19  }
0x3e: {  	s17 =	sshrl.u32 @!p1 s17, $0xD  }
0x3f: {  	s17 =	sand.u32 @!p1 $0x7FF, s17;
	s18 =	ssub.s32 @!p1 s18, s19  }
0x40: {  	s31 =	sadd.s32 $0xFFFFFFFF, s14;
	s17 =	smul.u32 @!p1 $0x278, s17;
	s19 =	sshrl.u32 @!p1 s18, $0x4  }
0x41: {  	s20 =	sxor.u32 @!p1 $0xFFFFFFFF, s14;
	s18 =	sshll.u32 @!p1 s18, $0x11;
	s19 =	sadd.s32 @!p1 s4, s19  }
0x42: {  	s18 =	sand.u32 @!p1 $0x1C0000, s18;
	s17 =	sadd.s32 @!p1 s17, s19;
	s19 =	sshll.u32 @!p1 s20, $0xD  }
0x43: {  	s18 =	sor.u32 @!p1 $0x200, s18;
	s20 =	simm.s32 @!p1 $0x9E00;
	s19 =	sand.u32 @!p1 $0x2000, s19  }
0x44: {  	[tilespmem:s19], [sflag:$0x1] =	stream.strided.gather @!p1 [hbm4b:s17+s18], $0x2000, s20, s18, $0x38;
	[tilespmem:$0x8080] =	vst v63  }
0x45: {  	p1 =	sge.u32 s31, s6  }
.Ltmp2:
0x46: {  	_ = 	snop;
	(pc) =	sbr.rel @p1 .LBB1_5-.Ltmp2, $1  }
0x47: {  	_ =	sdelay $0x3  }
0x48: {  	s17 =	simm.s32 $0x1  }
0x49: {  	_ =	swait.ge [sflag:s5], $0x2000;
	s17 =	simm.s32 @!p0 $0x0  }
0x4a: {  	[sflag:s5] =	ssyncset.done $0x0;
	s17 =	sshll.u32 s17, $0xD  }
0x4b: {  	[sflag:s5] =	ssyncadd.s32 $0xFFFFE000;
	s17 =	sor.u32 $0x40, s17  }
0x4c: {  	v0 =	vld [tilespmem:s17+$0x20]  }
0x4d: {  	v1 =	vld [tilespmem:s17+$0x30]  }
0x4e: {  	v2 =	vld [tilespmem:s17+$0xFFFFFFD0]  }
0x4f: {  	v5 =	vld [tilespmem:s17+$0x0]  }
0x50: {  	v6 =	vld [tilespmem:s17+$0x10]  }
0x51: {  	s18 =	sand.u32 $0x1, s14;
	v3 =	vld [tilespmem:s17+$0xFFFFFFE0]  }
0x52: {  	s18 =	smul.u32 $0x8100, s18;
	v4 =	vld [tilespmem:s17+$0xFFFFFFF0]  }
0x53: {  	s19 =	simm.s32 $0x0;
	v1 =	vperm.xlane.i2c.b16 v1  }
0x54: {  	s20 =	sand.u32 $0x7C, s19;
	s18 =	sshrl.u32 s18, $0x2;
	v8 =	vld [tilespmem:s17+$0xFFFFFFC0];
	s21 =	sadd.s32 $0x80, s17;
	v7 =	vperm.xlane.i2c.b16 v0;
	v0 =	vperm.xlane.i2c.b16 v2  }
0x55: {  	s30 =	sand.u32 $0x80, s19;
	s31 =	sshrl.u32 s20, $0x1;
	s17 =	sor.u32 $0x4000, s18;
	v11 =	vld [tilespmem:s21+$0x30];
	v10 =	vperm.xlane.i2c.b16 v5;
	v13 =	vperm.xlane.i2c.b16 v6  }
0x56: {  	s18 =	sshrl.u32 s30, $0x1;
	s19 =	sadd.s32 s31, s17;
	v2 =	vld [tilespmem:s21+$0x20];
	v3 =	vperm.xlane.i2c.b16 v3;
	v9 =	vcombine.low v7, v1  }
0x57: {  	v12 =	vld [tilespmem:s21+$0xFFFFFFD0];
	s18 =	sadd.s32 s18, s19;
	v4 =	vperm.xlane.i2c.b16 v4;
	v14 =	vcombine.low v10, v13  }
0x58: {  	v1 =	vcombine.high v7, v1;
	v7 =	vld [tilespmem:s21+$0xFFFFFFE0];
	[tilespmem:s18+$0x1830 ss:$0x81] =	vst.msk $0xffff, v9  }
0x59: {  	v6 =	vld [tilespmem:s21+$0xFFFFFFF0];
	v5 =	vperm.xlane.i2c.b16 v8;
	v9 =	vcombine.low v3, v4;
	[tilespmem:s18+$0x1020 ss:$0x81] =	vst.msk $0xffff, v14  }
0x5a: {  	s19 =	simm.s32 $0x4;
	v8 =	vperm.xlane.i2c.b16 v11;
	[tilespmem:s18+$0x1831 ss:$0x81] =	vst.msk $0xffff, v1;
	v1 =	vcombine.high v3, v4;
	v3 =	vld [tilespmem:s21+$0x0]  }
0x5b: {  	s20 =	simm.s32 $0x2;
	s23 =	sand.u32 $0x7C, s19;
	v10 =	vcombine.high v10, v13;
	v4 =	vld [tilespmem:s21+$0x10];
	[tilespmem:s18+$0x810 ss:$0x81] =	vst.msk $0xffff, v9;
	v9 =	vperm.xlane.i2c.b16 v2  }
0x5c: {  	s22 =	sand.u32 $0x80, s19;
	s23 =	sshrl.u32 s23, $0x1;
	v11 =	vcombine.low v5, v0;
	v2 =	vld [tilespmem:s21+$0xFFFFFFC0];
	s21 =	sadd.s32 $0x80, s21;
	[tilespmem:s18+$0x811 ss:$0x81] =	vst.msk $0xffff, v1;
	v1 =	vperm.xlane.i2c.b16 v12  }
.LBB1_3:
0x5d: {  	v12 =	vld [tilespmem:s21+$0x20];
	s23 =	sadd.s32 s23, s17;
	s22 =	sshrl.u32 s22, $0x1;
	v13 =	vperm.xlane.i2c.b16 v7;
	v7 =	vcombine.low v9, v8;
	[tilespmem:s18+$0x1021 ss:$0x81] =	vst.msk $0xffff, v10  }
0x5e: {  	v10 =	vperm.xlane.i2c.b16 v6;
	v6 =	vcombine.high v9, v8;
	s20 =	sadd.s32 $0x2, s20;
	v14 =	vld [tilespmem:s21+$0x30];
	s22 =	sadd.s32 s22, s23;
	[tilespmem:s18+$0x0 ss:$0x81] =	vst.msk $0xffff, v11  }
0x5f: {  	v8 =	vperm.xlane.i2c.b16 v3;
	v3 =	vcombine.high v5, v0;
	v0 =	vmov v1;
	p1 =	slt.u32 s20, $0x7E;
	v11 =	vld [tilespmem:s21+$0xFFFFFFD0];
	[tilespmem:s22+$0x1830 ss:$0x81] =	vst.msk $0xffff, v7  }
.Ltmp3:
0x60: {  	v4 =	vperm.xlane.i2c.b16 v4;
	v1 =	vcombine.low v13, v10;
	v7 =	vld [tilespmem:s21+$0xFFFFFFE0];
	[tilespmem:s22+$0x1831 ss:$0x81] =	vst.msk $0xffff, v6;
	(pc) =	sbr.rel @p1 .LBB1_3-.Ltmp3, $4  }
0x61: {  	v5 =	vperm.xlane.i2c.b16 v2;
	v2 =	vcombine.high v13, v10;
	v6 =	vld [tilespmem:s21+$0xFFFFFFF0];
	[tilespmem:s18+$0x1 ss:$0x81] =	vst.msk $0xffff, v3;
	s18 =	smov.u32 s22  }
0x62: {  	s19 =	sadd.s32 $0x4, s19;
	v13 =	vcombine.low v8, v4;
	v10 =	vcombine.high v8, v4;
	v3 =	vld [tilespmem:s21+$0x0];
	[tilespmem:s18+$0x810 ss:$0x81] =	vst.msk $0xffff, v1  }
0x63: {  	s23 =	sand.u32 $0x7C, s19;
	v9 =	vperm.xlane.i2c.b16 v12;
	v4 =	vld [tilespmem:s21+$0x10];
	v8 =	vperm.xlane.i2c.b16 v14;
	[tilespmem:s18+$0x811 ss:$0x81] =	vst.msk $0xffff, v2  }
0x64: {  	s23 =	sshrl.u32 s23, $0x1;
	s22 =	sand.u32 $0x80, s19;
	v2 =	vld [tilespmem:s21+$0xFFFFFFC0];
	v1 =	vperm.xlane.i2c.b16 v11;
	s21 =	sadd.s32 $0x80, s21;
	v11 =	vcombine.low v5, v0;
	[tilespmem:s18+$0x1020 ss:$0x81] =	vst.msk $0xffff, v13  }
.Ltmp4:
0x65: {  	_ = 	snop;
	(pc) =	sbr.rel .LBB1_4-.Ltmp4, $1  }
0x66: {  	_ =	sdelay $0x3  }
.LBB1_6:
0x67: {  	_ =	sfence.sel $0x180000  }
0x68: {  	s2 =	simm.s32 $0x1;
	[bflag:$0x0] =	sbarrier.arrive $0xFFFF  }
0x69: {  	s31 =	simm.s32 $0x2;
	[sflag:s2] =	ssyncpa.u1 $0x1  }
0x6a: {  	[sflag:s31] =	ssyncpa.u1 $0x1  }
0x6b: {  	p0 =	sne.s32 s0, $0x0;
	_ =	strace $0x9000004D  }
0x6c: {  	s0 =	sadd.s32 @!p0 $0x100000, s1;
	[bflag:$0x2] =	sbarrier.arrive $0xFFFF  }
0x6d: {  	[sflag:s0] =	ssyncadd.tile.s32 @!p0 $0x1;
	_ =	shalt  }
.Lfunc_end1:
_tile_overlayer_lowered:
.L_overlay_start_2:
0x6e: {  	(tag) =	ssettag $0x2  }
0x6f: {  	s0 =	rddreg [dreg:$0x0];
	s2 =	stileid.u32  }
0x70: {  	s1 =	rddreg [dreg:$0x1];
	p0 =	sne.s32 s2, $0x0  }
0x71: {  	s3 =	rddreg [dreg:$0x2];
	[bflag:$0x3] =	sbarrier.arrive $0xFFFF;
	s2 =	simm.s32 @!p0 $0x1C01  }
0x72: {  	[timem:s3], [sflag:s2] =	dma.local @!p0 [hbm:s0], s1  }
0x73: {  	s0 =	simm.s32 @!p0 $0x1  }
0x74: {  	_ =	swait.ge @!p0 [sflag:s0], s1  }
0x75: {  	s1 =	ssub.s32 @!p0 $0x0, s1;
	[sflag:s0] =	ssyncset.done @!p0 $0x0  }
0x76: {  	[sflag:s0] =	ssyncadd.s32 @!p0 s1  }
0x77: {  	[bflag:$0x3] =	sbarrier.arrive $0xFFFF  }
0x78: {  	_ =	shalt  }

</sc_bundles>
